<compile_context>
chip_gen: v7x
topology: tpu7x:2x2x1
jax: 0.10.2.dev20260603
libtpu: 0.0.44.dev20260713+nightly
codegen_flags: <defaults>
</compile_context>

<pallas_src>
import functools

import jax
import jax.numpy as jnp
from jax import lax
from jax.experimental import pallas as pl
from jax.experimental.pallas import tpu as pltpu
from jax.experimental.pallas import tpu_sc as plsc

_info = plsc.get_sparse_core_info()
_NC, _NS = _info.num_cores, _info.num_subcores
_NW = _NC * _NS

_V = 1000001
_B = 16384
_D = 64
_STRIPE = 31360
_W = 512
_NSLAB = -(-_STRIPE // _W)
_VPAD = 1000064
_DUMP = _B
_LCAP = _B + 64
_LDUMP = _B + 16


def _make_emb():
    mesh = plsc.VectorSubcoreMesh(core_axis_name="c", subcore_axis_name="s")

    @functools.partial(
        pl.kernel,
        mesh=mesh,
        out_type=jax.ShapeDtypeStruct((_B + 8, 128), jnp.float32),
        scratch_types=[
            pltpu.VMEM((_B,), jnp.int32),
            pltpu.VMEM((_LCAP,), jnp.int32),
            pltpu.VMEM((_LCAP,), jnp.int32),
            pltpu.VMEM((_D, _W), jnp.float32),
            pltpu.VMEM((16, 128), jnp.float32),
            pltpu.SemaphoreType.DMA,
        ],
        compiler_params=pltpu.CompilerParams(needs_layout_passes=False),
    )
    def emb(idx_hbm, tt_hbm, out_hbm, xv, glist, slist, slab, rowbuf, sem):
        wid = lax.axis_index("s") * _NC + lax.axis_index("c")
        lo = wid * _STRIPE
        iota = lax.iota(jnp.int32, 16)
        pltpu.sync_copy(idx_hbm, xv)

        def scan_step(g, cnt):
            for u in range(4):
                gg = g * 4 + u
                v = xv[pl.ds(gg * 16, 16)]
                rel = v - lo
                m = (rel >= 0) & (rel < _STRIPE)
                pref = plsc.cumsum(jnp.where(m, 1, 0))
                pos = jnp.where(m, cnt + pref - 1, _LDUMP + iota)
                packed = (rel << 15) | (iota + gg * 16)
                plsc.store_scatter(glist, [pos], packed)
                cnt = cnt + pref[15]
            return cnt

        cnt = lax.fori_loop(0, _B // 64, scan_step, 0)
        glist[pl.ds(cnt, 16)] = jnp.full(
            (16,), ((_STRIPE + _W) << 15) | _DUMP, jnp.int32)

        def slab_step(s, carry):
            slab_lo = s * _W
            fs = jnp.minimum(lo + slab_lo, _VPAD - _W)
            fs = pl.multiple_of(fs, 128)
            pltpu.sync_copy(tt_hbm.at[:, pl.ds(fs, _W)], slab)
            frel = fs - lo
            p_lo = slab_lo << 15
            p_hi = (slab_lo + _W) << 15

            def rescan_step(q, c2):
                v = glist[pl.ds(q * 16, 16)]
                m = (v >= p_lo) & (v < p_hi)
                pref = plsc.cumsum(jnp.where(m, 1, 0))
                pos = jnp.where(m, c2 + pref - 1, _LDUMP + iota)
                plsc.store_scatter(slist, [pos], v)
                return c2 + pref[15]

            c2 = lax.fori_loop(0, (cnt + 16) // 16, rescan_step, 0)

            @pl.when(c2 > 0)
            def _():
                slist[pl.ds(c2, 16)] = jnp.full(
                    (16,), (frel << 15) | _DUMP, jnp.int32)

                def extract(q, carry2):
                    v = slist[pl.ds(q * 16, 16)]
                    rr = (v >> 15) - frel
                    ii = v & 0x7FFF
                    for j in range(16):
                        rj = jnp.full((16,), rr[j], jnp.int32)
                        for cg in range(4):
                            vals = plsc.load_gather(
                                slab, [iota + cg * 16, rj])
                            rowbuf[j, pl.ds(cg * 16, 16)] = vals
                    pltpu.async_copy(rowbuf, out_hbm.at[ii], sem).wait()
                    return carry2

                lax.fori_loop(0, (c2 + 15) // 16, extract, 0)

            return carry

        lax.fori_loop(0, _NSLAB, slab_step, 0)

    return emb


_emb = _make_emb()


def kernel(x, table):
    out128 = _emb(x.astype(jnp.int32), table.T)
    return out128[:_B, :_D]

# --- scband reference (transcript-rebuilt; emitter-appended) ---
"""Pipeline reference for scband-user-embedding-43035572306129 (READ-ONLY COPY).

The authoritative reference and input builder live on the scoring server;
editing this copy changes nothing except your own understanding.
"""

import jax, jax.numpy as jnp
import numpy as np

USER_SIZE = 1000000
EMBED_SIZE = 64
BATCH = 16384

def setup_inputs(seed: int = 0) -> dict:
    key = jax.random.key(seed)
    k1, k2 = jax.random.split(key)
    x = jax.random.randint(k1, (BATCH,), 0, USER_SIZE + 1, dtype=jnp.int64 if jax.config.jax_enable_x64 else jnp.int32)
    table = jax.random.normal(k2, (USER_SIZE + 1, EMBED_SIZE), dtype=jnp.float32)
    # padding_idx=0: row 0 is zeros (nn.Embedding initializes padding row to zero)
    table = table.at[0].set(0.0)
    return {"x": x, "table": table}

def reference(x, table):
    # Equivalent of nn.Embedding(num_embeddings=user_size+1, embedding_dim=embed_size, padding_idx=0)(x)
    return jnp.take(table, x, axis=0)

if __name__ == "__main__":
    import jax
    _d = setup_inputs()
    print(jax.jit(kernel)(*tuple(_d.values())))

</pallas_src>

<mosaic_0001>
#map = affine_map<(d0, d1) -> (0)>
#map1 = affine_map<(d0, d1) -> (0, 0)>
module attributes {stable_mosaic.version = 14 : i64} {
  func.func @emb(%arg0: i32, %arg1: i32, %arg2: memref<16384xi32, #tpu.memory_space<hbm>>, %arg3: memref<64x1000001xf32, #tpu.memory_space<hbm>>, %arg4: memref<16392x128xf32, #tpu.memory_space<hbm>>, %arg5: memref<16384xi32, #tpu.memory_space<vmem>>, %arg6: memref<16448xi32, #tpu.memory_space<vmem>>, %arg7: memref<16448xi32, #tpu.memory_space<vmem>>, %arg8: memref<64x512xf32, #tpu.memory_space<vmem>>, %arg9: memref<16x128xf32, #tpu.memory_space<vmem>>, %arg10: memref<!tpu.dma_semaphore, #tpu.memory_space<semaphore_mem>>) attributes {dimension_semantics = [#tpu.dimension_semantics<core_parallel>, #tpu.dimension_semantics<subcore_parallel>], iteration_bounds = array<i64: 2, 16>, scalar_prefetch = 0 : i64, scratch_operands = 6 : i64, tpu.core_type = #tpu.core_type<sc_vector_subcore>, window_params = [{transform_indices = #map}, {transform_indices = #map1}, {transform_indices = #map1}]} {
    %mul3A = arith.constant 2 : i32
    %mul3A_0 = arith.muli %arg1, %mul3A : i32
    %add3A = arith.addi %mul3A_0, %arg0 : i32
    %mul3A_1 = arith.constant 31360 : i32
    %mul3A_2 = arith.muli %add3A, %mul3A_1 : i32
    %iota3A = tpu.iota {dimensions = array<i32: 0>} : vector<16xi32>
    "tpu.region"() ({
      %run_scoped3A = tpu.sem_alloc : memref<!tpu.dma_semaphore, #tpu.memory_space<semaphore_mem>>
      tpu.enqueue_dma source(%arg2 : memref<16384xi32, #tpu.memory_space<hbm>>) target(%arg5 : memref<16384xi32, #tpu.memory_space<vmem>>) target_semaphore(%run_scoped3A : memref<!tpu.dma_semaphore, #tpu.memory_space<semaphore_mem>>)
      tpu.wait_dma2 semaphore(%run_scoped3A : memref<!tpu.dma_semaphore, #tpu.memory_space<semaphore_mem>>) src(%arg2 : memref<16384xi32, #tpu.memory_space<hbm>>) dst(%arg5 : memref<16384xi32, #tpu.memory_space<vmem>>)
      tpu.yield
    }) : () -> ()
    %scan3A = arith.constant 0 : i32
    %scan3A_3 = arith.constant 0 : i32
    %scan3A_4 = arith.constant 256 : i32
    %scan3A_5 = arith.addi %scan3A_3, %scan3A_4 : i32
    %scan3A_6 = arith.constant 1 : i32
    %scan3A_7 = scf.for %scan3A_17 = %scan3A_3 to %scan3A_5 step %scan3A_6 iter_args(%scan3A_18 = %scan3A) -> (i32)  : i32 {
      %mul3A_19 = arith.constant 4 : i32
      %mul3A_20 = arith.muli %scan3A_17, %mul3A_19 : i32
      %add3A_21 = arith.constant 0 : i32
      %add3A_22 = arith.addi %mul3A_20, %add3A_21 : i32
      %mul3A_23 = arith.constant 16 : i32
      %mul3A_24 = arith.muli %add3A_22, %mul3A_23 : i32
      %get3A = arith.index_cast %mul3A_24 : i32 to index
      %get3A_25 = tpu.vector_load %arg5[%get3A] {strides = array<i32>} : memref<16384xi32, #tpu.memory_space<vmem>>, vector<16xi32>,
      %sub3A = vector.broadcast %mul3A_2 : i32 to vector<16xi32>
      %sub3A_26 = arith.subi %get3A_25, %sub3A : vector<16xi32>
      %ge3A = arith.constant 0 : i32
      %ge3A_27 = vector.broadcast %ge3A : i32 to vector<16xi32>
      %ge3A_28 = arith.cmpi sge, %sub3A_26, %ge3A_27 : vector<16xi32>
      %lt3A = arith.constant 31360 : i32
      %lt3A_29 = vector.broadcast %lt3A : i32 to vector<16xi32>
      %lt3A_30 = arith.cmpi slt, %sub3A_26, %lt3A_29 : vector<16xi32>
      %and3A = arith.andi %ge3A_28, %lt3A_30 : vector<16xi1>
      %jit3A = arith.constant 1 : i32
      %jit3A_31 = arith.constant 0 : i32
      %broadcast_in_dim3A_32 = vector.broadcast %jit3A : i32 to vector<16xi32>
      %broadcast_in_dim3A_33 = vector.broadcast %jit3A_31 : i32 to vector<16xi32>
      %select_n3A = arith.select %and3A, %broadcast_in_dim3A_32, %broadcast_in_dim3A_33 : vector<16xi1>, vector<16xi32>
      %broadcast_in_dim3A_34 = arith.constant true
      %broadcast_in_dim3A_35 = vector.broadcast %broadcast_in_dim3A_34 : i1 to vector<16xi1>
      %masked_cumsum3A = tpu.scan <sum>, %select_n3A masked %broadcast_in_dim3A_35 : vector<16xi32>, vector<16xi1> -> vector<16xi32>
      %add3A_36 = vector.broadcast %scan3A_18 : i32 to vector<16xi32>
      %add3A_37 = arith.addi %add3A_36, %masked_cumsum3A : vector<16xi32>
      %sub3A_38 = arith.constant 1 : i32
      %sub3A_39 = vector.broadcast %sub3A_38 : i32 to vector<16xi32>
      %sub3A_40 = arith.subi %add3A_37, %sub3A_39 : vector<16xi32>
      %add3A_41 = arith.constant 16400 : i32
      %add3A_42 = vector.broadcast %add3A_41 : i32 to vector<16xi32>
      %add3A_43 = arith.addi %add3A_42, %iota3A : vector<16xi32>
      %select_n3A_44 = arith.select %and3A, %sub3A_40, %add3A_43 : vector<16xi1>, vector<16xi32>
      %shift_left3A = arith.constant 15 : i32
      %shift_left3A_45 = vector.broadcast %shift_left3A : i32 to vector<16xi32>
      %shift_left3A_46 = arith.shli %sub3A_26, %shift_left3A_45 : vector<16xi32>
      %mul3A_47 = arith.constant 16 : i32
      %mul3A_48 = arith.muli %add3A_22, %mul3A_47 : i32
      %add3A_49 = vector.broadcast %mul3A_48 : i32 to vector<16xi32>
      %add3A_50 = arith.addi %iota3A, %add3A_49 : vector<16xi32>
      %or3A = arith.ori %shift_left3A_46, %add3A_50 : vector<16xi32>
      tpu.vector_store_idx %arg6[%select_n3A_44], %or3A : memref<16448xi32, #tpu.memory_space<vmem>>[vector<16xi32>], vector<16xi32>,
      %slice3A = vector.extract_strided_slice %masked_cumsum3A {offsets = [15], sizes = [1], strides = [1]} : vector<16xi32> to vector<1xi32>
      %squeeze3A = vector.extract %slice3A[0] : i32 from vector<1xi32>
      %add3A_51 = arith.addi %scan3A_18, %squeeze3A : i32
      %mul3A_52 = arith.constant 4 : i32
      %mul3A_53 = arith.muli %scan3A_17, %mul3A_52 : i32
      %add3A_54 = arith.constant 1 : i32
      %add3A_55 = arith.addi %mul3A_53, %add3A_54 : i32
      %mul3A_56 = arith.constant 16 : i32
      %mul3A_57 = arith.muli %add3A_55, %mul3A_56 : i32
      %get3A_58 = arith.index_cast %mul3A_57 : i32 to index
      %get3A_59 = tpu.vector_load %arg5[%get3A_58] {strides = array<i32>} : memref<16384xi32, #tpu.memory_space<vmem>>, vector<16xi32>,
      %sub3A_60 = vector.broadcast %mul3A_2 : i32 to vector<16xi32>
      %sub3A_61 = arith.subi %get3A_59, %sub3A_60 : vector<16xi32>
      %ge3A_62 = arith.constant 0 : i32
      %ge3A_63 = vector.broadcast %ge3A_62 : i32 to vector<16xi32>
      %ge3A_64 = arith.cmpi sge, %sub3A_61, %ge3A_63 : vector<16xi32>
      %lt3A_65 = arith.constant 31360 : i32
      %lt3A_66 = vector.broadcast %lt3A_65 : i32 to vector<16xi32>
      %lt3A_67 = arith.cmpi slt, %sub3A_61, %lt3A_66 : vector<16xi32>
      %and3A_68 = arith.andi %ge3A_64, %lt3A_67 : vector<16xi1>
      %jit3A_69 = arith.constant 1 : i32
      %jit3A_70 = arith.constant 0 : i32
      %broadcast_in_dim3A_71 = vector.broadcast %jit3A_69 : i32 to vector<16xi32>
      %broadcast_in_dim3A_72 = vector.broadcast %jit3A_70 : i32 to vector<16xi32>
      %select_n3A_73 = arith.select %and3A_68, %broadcast_in_dim3A_71, %broadcast_in_dim3A_72 : vector<16xi1>, vector<16xi32>
      %broadcast_in_dim3A_74 = arith.constant true
      %broadcast_in_dim3A_75 = vector.broadcast %broadcast_in_dim3A_74 : i1 to vector<16xi1>
      %masked_cumsum3A_76 = tpu.scan <sum>, %select_n3A_73 masked %broadcast_in_dim3A_75 : vector<16xi32>, vector<16xi1> -> vector<16xi32>
      %add3A_77 = vector.broadcast %add3A_51 : i32 to vector<16xi32>
      %add3A_78 = arith.addi %add3A_77, %masked_cumsum3A_76 : vector<16xi32>
      %sub3A_79 = arith.constant 1 : i32
      %sub3A_80 = vector.broadcast %sub3A_79 : i32 to vector<16xi32>
      %sub3A_81 = arith.subi %add3A_78, %sub3A_80 : vector<16xi32>
      %add3A_82 = arith.constant 16400 : i32
      %add3A_83 = vector.broadcast %add3A_82 : i32 to vector<16xi32>
      %add3A_84 = arith.addi %add3A_83, %iota3A : vector<16xi32>
      %select_n3A_85 = arith.select %and3A_68, %sub3A_81, %add3A_84 : vector<16xi1>, vector<16xi32>
      %shift_left3A_86 = arith.constant 15 : i32
      %shift_left3A_87 = vector.broadcast %shift_left3A_86 : i32 to vector<16xi32>
      %shift_left3A_88 = arith.shli %sub3A_61, %shift_left3A_87 : vector<16xi32>
      %mul3A_89 = arith.constant 16 : i32
      %mul3A_90 = arith.muli %add3A_55, %mul3A_89 : i32
      %add3A_91 = vector.broadcast %mul3A_90 : i32 to vector<16xi32>
      %add3A_92 = arith.addi %iota3A, %add3A_91 : vector<16xi32>
      %or3A_93 = arith.ori %shift_left3A_88, %add3A_92 : vector<16xi32>
      tpu.vector_store_idx %arg6[%select_n3A_85], %or3A_93 : memref<16448xi32, #tpu.memory_space<vmem>>[vector<16xi32>], vector<16xi32>,
      %slice3A_94 = vector.extract_strided_slice %masked_cumsum3A_76 {offsets = [15], sizes = [1], strides = [1]} : vector<16xi32> to vector<1xi32>
      %squeeze3A_95 = vector.extract %slice3A_94[0] : i32 from vector<1xi32>
      %add3A_96 = arith.addi %add3A_51, %squeeze3A_95 : i32
      %mul3A_97 = arith.constant 4 : i32
      %mul3A_98 = arith.muli %scan3A_17, %mul3A_97 : i32
      %add3A_99 = arith.constant 2 : i32
      %add3A_100 = arith.addi %mul3A_98, %add3A_99 : i32
      %mul3A_101 = arith.constant 16 : i32
      %mul3A_102 = arith.muli %add3A_100, %mul3A_101 : i32
      %get3A_103 = arith.index_cast %mul3A_102 : i32 to index
      %get3A_104 = tpu.vector_load %arg5[%get3A_103] {strides = array<i32>} : memref<16384xi32, #tpu.memory_space<vmem>>, vector<16xi32>,
      %sub3A_105 = vector.broadcast %mul3A_2 : i32 to vector<16xi32>
      %sub3A_106 = arith.subi %get3A_104, %sub3A_105 : vector<16xi32>
      %ge3A_107 = arith.constant 0 : i32
      %ge3A_108 = vector.broadcast %ge3A_107 : i32 to vector<16xi32>
      %ge3A_109 = arith.cmpi sge, %sub3A_106, %ge3A_108 : vector<16xi32>
      %lt3A_110 = arith.constant 31360 : i32
      %lt3A_111 = vector.broadcast %lt3A_110 : i32 to vector<16xi32>
      %lt3A_112 = arith.cmpi slt, %sub3A_106, %lt3A_111 : vector<16xi32>
      %and3A_113 = arith.andi %ge3A_109, %lt3A_112 : vector<16xi1>
      %jit3A_114 = arith.constant 1 : i32
      %jit3A_115 = arith.constant 0 : i32
      %broadcast_in_dim3A_116 = vector.broadcast %jit3A_114 : i32 to vector<16xi32>
      %broadcast_in_dim3A_117 = vector.broadcast %jit3A_115 : i32 to vector<16xi32>
      %select_n3A_118 = arith.select %and3A_113, %broadcast_in_dim3A_116, %broadcast_in_dim3A_117 : vector<16xi1>, vector<16xi32>
      %broadcast_in_dim3A_119 = arith.constant true
      %broadcast_in_dim3A_120 = vector.broadcast %broadcast_in_dim3A_119 : i1 to vector<16xi1>
      %masked_cumsum3A_121 = tpu.scan <sum>, %select_n3A_118 masked %broadcast_in_dim3A_120 : vector<16xi32>, vector<16xi1> -> vector<16xi32>
      %add3A_122 = vector.broadcast %add3A_96 : i32 to vector<16xi32>
      %add3A_123 = arith.addi %add3A_122, %masked_cumsum3A_121 : vector<16xi32>
      %sub3A_124 = arith.constant 1 : i32
      %sub3A_125 = vector.broadcast %sub3A_124 : i32 to vector<16xi32>
      %sub3A_126 = arith.subi %add3A_123, %sub3A_125 : vector<16xi32>
      %add3A_127 = arith.constant 16400 : i32
      %add3A_128 = vector.broadcast %add3A_127 : i32 to vector<16xi32>
      %add3A_129 = arith.addi %add3A_128, %iota3A : vector<16xi32>
      %select_n3A_130 = arith.select %and3A_113, %sub3A_126, %add3A_129 : vector<16xi1>, vector<16xi32>
      %shift_left3A_131 = arith.constant 15 : i32
      %shift_left3A_132 = vector.broadcast %shift_left3A_131 : i32 to vector<16xi32>
      %shift_left3A_133 = arith.shli %sub3A_106, %shift_left3A_132 : vector<16xi32>
      %mul3A_134 = arith.constant 16 : i32
      %mul3A_135 = arith.muli %add3A_100, %mul3A_134 : i32
      %add3A_136 = vector.broadcast %mul3A_135 : i32 to vector<16xi32>
      %add3A_137 = arith.addi %iota3A, %add3A_136 : vector<16xi32>
      %or3A_138 = arith.ori %shift_left3A_133, %add3A_137 : vector<16xi32>
      tpu.vector_store_idx %arg6[%select_n3A_130], %or3A_138 : memref<16448xi32, #tpu.memory_space<vmem>>[vector<16xi32>], vector<16xi32>,
      %slice3A_139 = vector.extract_strided_slice %masked_cumsum3A_121 {offsets = [15], sizes = [1], strides = [1]} : vector<16xi32> to vector<1xi32>
      %squeeze3A_140 = vector.extract %slice3A_139[0] : i32 from vector<1xi32>
      %add3A_141 = arith.addi %add3A_96, %squeeze3A_140 : i32
      %mul3A_142 = arith.constant 4 : i32
      %mul3A_143 = arith.muli %scan3A_17, %mul3A_142 : i32
      %add3A_144 = arith.constant 3 : i32
      %add3A_145 = arith.addi %mul3A_143, %add3A_144 : i32
      %mul3A_146 = arith.constant 16 : i32
      %mul3A_147 = arith.muli %add3A_145, %mul3A_146 : i32
      %get3A_148 = arith.index_cast %mul3A_147 : i32 to index
      %get3A_149 = tpu.vector_load %arg5[%get3A_148] {strides = array<i32>} : memref<16384xi32, #tpu.memory_space<vmem>>, vector<16xi32>,
      %sub3A_150 = vector.broadcast %mul3A_2 : i32 to vector<16xi32>
      %sub3A_151 = arith.subi %get3A_149, %sub3A_150 : vector<16xi32>
      %ge3A_152 = arith.constant 0 : i32
      %ge3A_153 = vector.broadcast %ge3A_152 : i32 to vector<16xi32>
      %ge3A_154 = arith.cmpi sge, %sub3A_151, %ge3A_153 : vector<16xi32>
      %lt3A_155 = arith.constant 31360 : i32
      %lt3A_156 = vector.broadcast %lt3A_155 : i32 to vector<16xi32>
      %lt3A_157 = arith.cmpi slt, %sub3A_151, %lt3A_156 : vector<16xi32>
      %and3A_158 = arith.andi %ge3A_154, %lt3A_157 : vector<16xi1>
      %jit3A_159 = arith.constant 1 : i32
      %jit3A_160 = arith.constant 0 : i32
      %broadcast_in_dim3A_161 = vector.broadcast %jit3A_159 : i32 to vector<16xi32>
      %broadcast_in_dim3A_162 = vector.broadcast %jit3A_160 : i32 to vector<16xi32>
      %select_n3A_163 = arith.select %and3A_158, %broadcast_in_dim3A_161, %broadcast_in_dim3A_162 : vector<16xi1>, vector<16xi32>
      %broadcast_in_dim3A_164 = arith.constant true
      %broadcast_in_dim3A_165 = vector.broadcast %broadcast_in_dim3A_164 : i1 to vector<16xi1>
      %masked_cumsum3A_166 = tpu.scan <sum>, %select_n3A_163 masked %broadcast_in_dim3A_165 : vector<16xi32>, vector<16xi1> -> vector<16xi32>
      %add3A_167 = vector.broadcast %add3A_141 : i32 to vector<16xi32>
      %add3A_168 = arith.addi %add3A_167, %masked_cumsum3A_166 : vector<16xi32>
      %sub3A_169 = arith.constant 1 : i32
      %sub3A_170 = vector.broadcast %sub3A_169 : i32 to vector<16xi32>
      %sub3A_171 = arith.subi %add3A_168, %sub3A_170 : vector<16xi32>
      %add3A_172 = arith.constant 16400 : i32
      %add3A_173 = vector.broadcast %add3A_172 : i32 to vector<16xi32>
      %add3A_174 = arith.addi %add3A_173, %iota3A : vector<16xi32>
      %select_n3A_175 = arith.select %and3A_158, %sub3A_171, %add3A_174 : vector<16xi1>, vector<16xi32>
      %shift_left3A_176 = arith.constant 15 : i32
      %shift_left3A_177 = vector.broadcast %shift_left3A_176 : i32 to vector<16xi32>
      %shift_left3A_178 = arith.shli %sub3A_151, %shift_left3A_177 : vector<16xi32>
      %mul3A_179 = arith.constant 16 : i32
      %mul3A_180 = arith.muli %add3A_145, %mul3A_179 : i32
      %add3A_181 = vector.broadcast %mul3A_180 : i32 to vector<16xi32>
      %add3A_182 = arith.addi %iota3A, %add3A_181 : vector<16xi32>
      %or3A_183 = arith.ori %shift_left3A_178, %add3A_182 : vector<16xi32>
      tpu.vector_store_idx %arg6[%select_n3A_175], %or3A_183 : memref<16448xi32, #tpu.memory_space<vmem>>[vector<16xi32>], vector<16xi32>,
      %slice3A_184 = vector.extract_strided_slice %masked_cumsum3A_166 {offsets = [15], sizes = [1], strides = [1]} : vector<16xi32> to vector<1xi32>
      %squeeze3A_185 = vector.extract %slice3A_184[0] : i32 from vector<1xi32>
      %add3A_186 = arith.addi %add3A_141, %squeeze3A_185 : i32
      scf.yield %add3A_186 : i32
    }
    %scan3A_8 = arith.constant 256 : i32
    %broadcast_in_dim3A = arith.constant 1044398080 : i32
    %broadcast_in_dim3A_9 = vector.broadcast %broadcast_in_dim3A : i32 to vector<16xi32>
    %swap3A = arith.index_cast %scan3A_7 : i32 to index
    %swap3A_10 = tpu.vector_load %arg6[%swap3A] {strides = array<i32>} : memref<16448xi32, #tpu.memory_space<vmem>>, vector<16xi32>,
    tpu.vector_store %arg6[%swap3A], %broadcast_in_dim3A_9 {strides = array<i32>} : memref<16448xi32, #tpu.memory_space<vmem>>, vector<16xi32>,
    %scan3A_11 = arith.constant 0 : i32
    %scan3A_12 = arith.constant 0 : i32
    %scan3A_13 = arith.constant 62 : i32
    %scan3A_14 = arith.addi %scan3A_12, %scan3A_13 : i32
    %scan3A_15 = arith.constant 1 : i32
    scf.for %scan3A_17 = %scan3A_12 to %scan3A_14 step %scan3A_15  : i32 {
      %mul3A_18 = arith.constant 512 : i32
      %mul3A_19 = arith.muli %scan3A_17, %mul3A_18 : i32
      %add3A_20 = arith.addi %mul3A_2, %mul3A_19 : i32
      %min3A = arith.constant 999552 : i32
      %min3A_21 = arith.minsi %add3A_20, %min3A : i32
      %multiple_of3A = tpu.assume_multiple %min3A_21, 128 : i32
      "tpu.region"() ({
        %run_scoped3A = tpu.sem_alloc : memref<!tpu.dma_semaphore, #tpu.memory_space<semaphore_mem>>
        %dma_start3A = arith.constant 0 : i32
        %dma_start3A_59 = tpu.memref_slice %arg3[%dma_start3A, %multiple_of3A] : memref<64x1000001xf32, #tpu.memory_space<hbm>> -> memref<64x512xf32, #tpu.memory_space<hbm>>
        %dma_start3A_60 = arith.constant 0 : i32
        %dma_start3A_61 = tpu.memref_slice %arg3[%dma_start3A_60, %multiple_of3A] : memref<64x1000001xf32, #tpu.memory_space<hbm>> -> memref<64x512xf32, #tpu.memory_space<hbm>>
        tpu.enqueue_dma source(%dma_start3A_61 : memref<64x512xf32, #tpu.memory_space<hbm>>) target(%arg8 : memref<64x512xf32, #tpu.memory_space<vmem>>) target_semaphore(%run_scoped3A : memref<!tpu.dma_semaphore, #tpu.memory_space<semaphore_mem>>)
        %dma_wait3A = arith.constant 0 : i32
        %dma_wait3A_62 = tpu.memref_slice %arg3[%dma_wait3A, %multiple_of3A] : memref<64x1000001xf32, #tpu.memory_space<hbm>> -> memref<64x512xf32, #tpu.memory_space<hbm>>
        %dma_wait3A_63 = arith.constant 0 : i32
        %dma_wait3A_64 = tpu.memref_slice %arg3[%dma_wait3A_63, %multiple_of3A] : memref<64x1000001xf32, #tpu.memory_space<hbm>> -> memref<64x512xf32, #tpu.memory_space<hbm>>
        tpu.wait_dma2 semaphore(%run_scoped3A : memref<!tpu.dma_semaphore, #tpu.memory_space<semaphore_mem>>) src(%dma_wait3A_64 : memref<64x512xf32, #tpu.memory_space<hbm>>) dst(%arg8 : memref<64x512xf32, #tpu.memory_space<vmem>>)
        tpu.yield
      }) : () -> ()
      %sub3A = arith.subi %multiple_of3A, %mul3A_2 : i32
      %shift_left3A = arith.constant 15 : i32
      %shift_left3A_22 = arith.shli %mul3A_19, %shift_left3A : i32
      %add3A_23 = arith.constant 512 : i32
      %add3A_24 = arith.addi %mul3A_19, %add3A_23 : i32
      %shift_left3A_25 = arith.constant 15 : i32
      %shift_left3A_26 = arith.shli %add3A_24, %shift_left3A_25 : i32
      %add3A_27 = arith.constant 16 : i32
      %add3A_28 = arith.addi %scan3A_7, %add3A_27 : i32
      %jit3A = arith.constant 16 : i32
      %div3A = arith.divsi %add3A_28, %jit3A : i32
      %sign3A = arith.constant 0 : i32
      %sign3A_29 = arith.cmpi sgt, %add3A_28, %sign3A : i32
      %sign3A_30 = arith.extui %sign3A_29 : i1 to i32
      %sign3A_31 = arith.constant 0 : i32
      %sign3A_32 = arith.cmpi slt, %add3A_28, %sign3A_31 : i32
      %sign3A_33 = arith.extui %sign3A_32 : i1 to i32
      %sign3A_34 = arith.subi %sign3A_30, %sign3A_33 : i32
      %sign3A_35 = arith.constant 0 : i32
      %sign3A_36 = arith.cmpi sgt, %jit3A, %sign3A_35 : i32
      %sign3A_37 = arith.extui %sign3A_36 : i1 to i32
      %sign3A_38 = arith.constant 0 : i32
      %sign3A_39 = arith.cmpi slt, %jit3A, %sign3A_38 : i32
      %sign3A_40 = arith.extui %sign3A_39 : i1 to i32
      %sign3A_41 = arith.subi %sign3A_37, %sign3A_40 : i32
      %ne3A = arith.cmpi ne, %sign3A_34, %sign3A_41 : i32
      %rem3A = arith.remsi %add3A_28, %jit3A : i32
      %ne3A_42 = arith.constant 0 : i32
      %ne3A_43 = arith.cmpi ne, %rem3A, %ne3A_42 : i32
      %and3A = arith.andi %ne3A, %ne3A_43 : i1
      %sub3A_44 = arith.constant 1 : i32
      %sub3A_45 = arith.subi %div3A, %sub3A_44 : i32
      %select_n3A = arith.select %and3A, %sub3A_45, %div3A : i32
      %while3A = arith.constant 0 : i32
      %while3A_46 = arith.constant 0 : i32
      %while3A_47 = arith.subi %select_n3A, %while3A : i32
      %while3A_48 = arith.addi %while3A, %while3A_47 : i32
      %while3A_49 = arith.constant 1 : i32
      %while3A_50 = arith.divsi %while3A_47, %while3A_49 : i32
      %while3A_51 = arith.muli %while3A_50, %while3A_49 : i32
      %while3A_52 = arith.addi %while3A, %while3A_51 : i32
      %while3A_53 = arith.constant 1 : i32
      %while3A_54 = scf.for %while3A_59 = %while3A to %while3A_52 step %while3A_53 iter_args(%while3A_60 = %while3A_46) -> (i32)  : i32 {
        %mul3A_61 = arith.constant 16 : i32
        %mul3A_62 = arith.muli %while3A_59, %mul3A_61 : i32
        %get3A = arith.index_cast %mul3A_62 : i32 to index
        %get3A_63 = tpu.vector_load %arg6[%get3A] {strides = array<i32>} : memref<16448xi32, #tpu.memory_space<vmem>>, vector<16xi32>,
        %ge3A = vector.broadcast %shift_left3A_22 : i32 to vector<16xi32>
        %ge3A_64 = arith.cmpi sge, %get3A_63, %ge3A : vector<16xi32>
        %lt3A = vector.broadcast %shift_left3A_26 : i32 to vector<16xi32>
        %lt3A_65 = arith.cmpi slt, %get3A_63, %lt3A : vector<16xi32>
        %and3A_66 = arith.andi %ge3A_64, %lt3A_65 : vector<16xi1>
        %jit3A_67 = arith.constant 1 : i32
        %jit3A_68 = arith.constant 0 : i32
        %broadcast_in_dim3A_69 = vector.broadcast %jit3A_67 : i32 to vector<16xi32>
        %broadcast_in_dim3A_70 = vector.broadcast %jit3A_68 : i32 to vector<16xi32>
        %select_n3A_71 = arith.select %and3A_66, %broadcast_in_dim3A_69, %broadcast_in_dim3A_70 : vector<16xi1>, vector<16xi32>
        %broadcast_in_dim3A_72 = arith.constant true
        %broadcast_in_dim3A_73 = vector.broadcast %broadcast_in_dim3A_72 : i1 to vector<16xi1>
        %masked_cumsum3A = tpu.scan <sum>, %select_n3A_71 masked %broadcast_in_dim3A_73 : vector<16xi32>, vector<16xi1> -> vector<16xi32>
        %add3A_74 = vector.broadcast %while3A_60 : i32 to vector<16xi32>
        %add3A_75 = arith.addi %add3A_74, %masked_cumsum3A : vector<16xi32>
        %sub3A_76 = arith.constant 1 : i32
        %sub3A_77 = vector.broadcast %sub3A_76 : i32 to vector<16xi32>
        %sub3A_78 = arith.subi %add3A_75, %sub3A_77 : vector<16xi32>
        %add3A_79 = arith.constant 16400 : i32
        %add3A_80 = vector.broadcast %add3A_79 : i32 to vector<16xi32>
        %add3A_81 = arith.addi %add3A_80, %iota3A : vector<16xi32>
        %select_n3A_82 = arith.select %and3A_66, %sub3A_78, %add3A_81 : vector<16xi1>, vector<16xi32>
        tpu.vector_store_idx %arg7[%select_n3A_82], %get3A_63 : memref<16448xi32, #tpu.memory_space<vmem>>[vector<16xi32>], vector<16xi32>,
        %slice3A = vector.extract_strided_slice %masked_cumsum3A {offsets = [15], sizes = [1], strides = [1]} : vector<16xi32> to vector<1xi32>
        %squeeze3A = vector.extract %slice3A[0] : i32 from vector<1xi32>
        %add3A_83 = arith.addi %while3A_60, %squeeze3A : i32
        scf.yield %add3A_83 : i32
      }
      %while3A_55 = arith.constant 1 : i32
      %while3A_56 = scf.for %while3A_59 = %while3A_52 to %while3A_48 step %while3A_55 iter_args(%while3A_60 = %while3A_54) -> (i32)  : i32 {
        %mul3A_61 = arith.constant 16 : i32
        %mul3A_62 = arith.muli %while3A_59, %mul3A_61 : i32
        %get3A = arith.index_cast %mul3A_62 : i32 to index
        %get3A_63 = tpu.vector_load %arg6[%get3A] {strides = array<i32>} : memref<16448xi32, #tpu.memory_space<vmem>>, vector<16xi32>,
        %ge3A = vector.broadcast %shift_left3A_22 : i32 to vector<16xi32>
        %ge3A_64 = arith.cmpi sge, %get3A_63, %ge3A : vector<16xi32>
        %lt3A = vector.broadcast %shift_left3A_26 : i32 to vector<16xi32>
        %lt3A_65 = arith.cmpi slt, %get3A_63, %lt3A : vector<16xi32>
        %and3A_66 = arith.andi %ge3A_64, %lt3A_65 : vector<16xi1>
        %jit3A_67 = arith.constant 1 : i32
        %jit3A_68 = arith.constant 0 : i32
        %broadcast_in_dim3A_69 = vector.broadcast %jit3A_67 : i32 to vector<16xi32>
        %broadcast_in_dim3A_70 = vector.broadcast %jit3A_68 : i32 to vector<16xi32>
        %select_n3A_71 = arith.select %and3A_66, %broadcast_in_dim3A_69, %broadcast_in_dim3A_70 : vector<16xi1>, vector<16xi32>
        %broadcast_in_dim3A_72 = arith.constant true
        %broadcast_in_dim3A_73 = vector.broadcast %broadcast_in_dim3A_72 : i1 to vector<16xi1>
        %masked_cumsum3A = tpu.scan <sum>, %select_n3A_71 masked %broadcast_in_dim3A_73 : vector<16xi32>, vector<16xi1> -> vector<16xi32>
        %add3A_74 = vector.broadcast %while3A_60 : i32 to vector<16xi32>
        %add3A_75 = arith.addi %add3A_74, %masked_cumsum3A : vector<16xi32>
        %sub3A_76 = arith.constant 1 : i32
        %sub3A_77 = vector.broadcast %sub3A_76 : i32 to vector<16xi32>
        %sub3A_78 = arith.subi %add3A_75, %sub3A_77 : vector<16xi32>
        %add3A_79 = arith.constant 16400 : i32
        %add3A_80 = vector.broadcast %add3A_79 : i32 to vector<16xi32>
        %add3A_81 = arith.addi %add3A_80, %iota3A : vector<16xi32>
        %select_n3A_82 = arith.select %and3A_66, %sub3A_78, %add3A_81 : vector<16xi1>, vector<16xi32>
        tpu.vector_store_idx %arg7[%select_n3A_82], %get3A_63 : memref<16448xi32, #tpu.memory_space<vmem>>[vector<16xi32>], vector<16xi32>,
        %slice3A = vector.extract_strided_slice %masked_cumsum3A {offsets = [15], sizes = [1], strides = [1]} : vector<16xi32> to vector<1xi32>
        %squeeze3A = vector.extract %slice3A[0] : i32 from vector<1xi32>
        %add3A_83 = arith.addi %while3A_60, %squeeze3A : i32
        scf.yield %add3A_83 : i32
      }
      %gt3A = arith.constant 0 : i32
      %gt3A_57 = arith.cmpi sgt, %while3A_56, %gt3A : i32
      %convert_element_type3A = arith.extui %gt3A_57 : i1 to i32
      %cond3A = arith.constant 0 : i32
      %cond3A_58 = arith.cmpi ne, %convert_element_type3A, %cond3A : i32
      scf.if %cond3A_58 {
        %shift_left3A_59 = arith.constant 15 : i32
        %shift_left3A_60 = arith.shli %sub3A, %shift_left3A_59 : i32
        %or3A = arith.constant 16384 : i32
        %or3A_61 = arith.ori %shift_left3A_60, %or3A : i32
        %broadcast_in_dim3A_62 = vector.broadcast %or3A_61 : i32 to vector<16xi32>
        %swap3A_63 = arith.index_cast %while3A_56 : i32 to index
        %swap3A_64 = tpu.vector_load %arg7[%swap3A_63] {strides = array<i32>} : memref<16448xi32, #tpu.memory_space<vmem>>, vector<16xi32>,
        tpu.vector_store %arg7[%swap3A_63], %broadcast_in_dim3A_62 {strides = array<i32>} : memref<16448xi32, #tpu.memory_space<vmem>>, vector<16xi32>,
        %add3A_65 = arith.constant 15 : i32
        %add3A_66 = arith.addi %while3A_56, %add3A_65 : i32
        %jit3A_67 = arith.constant 16 : i32
        %div3A_68 = arith.divsi %add3A_66, %jit3A_67 : i32
        %sign3A_69 = arith.constant 0 : i32
        %sign3A_70 = arith.cmpi sgt, %add3A_66, %sign3A_69 : i32
        %sign3A_71 = arith.extui %sign3A_70 : i1 to i32
        %sign3A_72 = arith.constant 0 : i32
        %sign3A_73 = arith.cmpi slt, %add3A_66, %sign3A_72 : i32
        %sign3A_74 = arith.extui %sign3A_73 : i1 to i32
        %sign3A_75 = arith.subi %sign3A_71, %sign3A_74 : i32
        %sign3A_76 = arith.constant 0 : i32
        %sign3A_77 = arith.cmpi sgt, %jit3A_67, %sign3A_76 : i32
        %sign3A_78 = arith.extui %sign3A_77 : i1 to i32
        %sign3A_79 = arith.constant 0 : i32
        %sign3A_80 = arith.cmpi slt, %jit3A_67, %sign3A_79 : i32
        %sign3A_81 = arith.extui %sign3A_80 : i1 to i32
        %sign3A_82 = arith.subi %sign3A_78, %sign3A_81 : i32
        %ne3A_83 = arith.cmpi ne, %sign3A_75, %sign3A_82 : i32
        %rem3A_84 = arith.remsi %add3A_66, %jit3A_67 : i32
        %ne3A_85 = arith.constant 0 : i32
        %ne3A_86 = arith.cmpi ne, %rem3A_84, %ne3A_85 : i32
        %and3A_87 = arith.andi %ne3A_83, %ne3A_86 : i1
        %sub3A_88 = arith.constant 1 : i32
        %sub3A_89 = arith.subi %div3A_68, %sub3A_88 : i32
        %select_n3A_90 = arith.select %and3A_87, %sub3A_89, %div3A_68 : i32
        %while3A_91 = arith.constant 0 : i32
        %while3A_92 = arith.constant 0 : i32
        %while3A_93 = arith.subi %select_n3A_90, %while3A_92 : i32
        %while3A_94 = arith.addi %while3A_92, %while3A_93 : i32
        %while3A_95 = arith.constant 1 : i32
        %while3A_96 = arith.divsi %while3A_93, %while3A_95 : i32
        %while3A_97 = arith.muli %while3A_96, %while3A_95 : i32
        %while3A_98 = arith.addi %while3A_92, %while3A_97 : i32
        %while3A_99 = arith.constant 1 : i32
        scf.for %while3A_101 = %while3A_92 to %while3A_98 step %while3A_99  : i32 {
          %mul3A_102 = arith.constant 16 : i32
          %mul3A_103 = arith.muli %while3A_101, %mul3A_102 : i32
          %get3A = arith.index_cast %mul3A_103 : i32 to index
          %get3A_104 = tpu.vector_load %arg7[%get3A] {strides = array<i32>} : memref<16448xi32, #tpu.memory_space<vmem>>, vector<16xi32>,
          %shift_right_arithmetic3A = arith.constant 15 : i32
          %shift_right_arithmetic3A_105 = vector.broadcast %shift_right_arithmetic3A : i32 to vector<16xi32>
          %shift_right_arithmetic3A_106 = arith.shrsi %get3A_104, %shift_right_arithmetic3A_105 : vector<16xi32>
          %sub3A_107 = vector.broadcast %sub3A : i32 to vector<16xi32>
          %sub3A_108 = arith.subi %shift_right_arithmetic3A_106, %sub3A_107 : vector<16xi32>
          %and3A_109 = arith.constant 32767 : i32
          %and3A_110 = vector.broadcast %and3A_109 : i32 to vector<16xi32>
          %and3A_111 = arith.andi %get3A_104, %and3A_110 : vector<16xi32>
          %slice3A = vector.extract_strided_slice %sub3A_108 {offsets = [0], sizes = [1], strides = [1]} : vector<16xi32> to vector<1xi32>
          %squeeze3A = vector.extract %slice3A[0] : i32 from vector<1xi32>
          %broadcast_in_dim3A_112 = vector.broadcast %squeeze3A : i32 to vector<16xi32>
          %add3A_113 = arith.constant 0 : i32
          %add3A_114 = vector.broadcast %add3A_113 : i32 to vector<16xi32>
          %add3A_115 = arith.addi %iota3A, %add3A_114 : vector<16xi32>
          %gather3A = tpu.vector_load_idx %arg8[%add3A_115, %broadcast_in_dim3A_112] : memref<64x512xf32, #tpu.memory_space<vmem>>[vector<16xi32>, vector<16xi32>], vector<16xf32>,
          %swap3A_116 = arith.constant 0 : i32
          %swap3A_117 = arith.index_cast %swap3A_116 : i32 to index
          %swap3A_118 = arith.constant 0 : index
          %swap3A_119 = tpu.vector_load %arg9[%swap3A_117, %swap3A_118] {strides = array<i32>} : memref<16x128xf32, #tpu.memory_space<vmem>>, vector<16xf32>,
          tpu.vector_store %arg9[%swap3A_117, %swap3A_118], %gather3A {strides = array<i32>} : memref<16x128xf32, #tpu.memory_space<vmem>>, vector<16xf32>,
          %add3A_120 = arith.constant 16 : i32
          %add3A_121 = vector.broadcast %add3A_120 : i32 to vector<16xi32>
          %add3A_122 = arith.addi %iota3A, %add3A_121 : vector<16xi32>
          %gather3A_123 = tpu.vector_load_idx %arg8[%add3A_122, %broadcast_in_dim3A_112] : memref<64x512xf32, #tpu.memory_space<vmem>>[vector<16xi32>, vector<16xi32>], vector<16xf32>,
          %swap3A_124 = arith.constant 0 : i32
          %swap3A_125 = arith.index_cast %swap3A_124 : i32 to index
          %swap3A_126 = arith.constant 16 : index
          %swap3A_127 = tpu.vector_load %arg9[%swap3A_125, %swap3A_126] {strides = array<i32>} : memref<16x128xf32, #tpu.memory_space<vmem>>, vector<16xf32>,
          tpu.vector_store %arg9[%swap3A_125, %swap3A_126], %gather3A_123 {strides = array<i32>} : memref<16x128xf32, #tpu.memory_space<vmem>>, vector<16xf32>,
          %add3A_128 = arith.constant 32 : i32
          %add3A_129 = vector.broadcast %add3A_128 : i32 to vector<16xi32>
          %add3A_130 = arith.addi %iota3A, %add3A_129 : vector<16xi32>
          %gather3A_131 = tpu.vector_load_idx %arg8[%add3A_130, %broadcast_in_dim3A_112] : memref<64x512xf32, #tpu.memory_space<vmem>>[vector<16xi32>, vector<16xi32>], vector<16xf32>,
          %swap3A_132 = arith.constant 0 : i32
          %swap3A_133 = arith.index_cast %swap3A_132 : i32 to index
          %swap3A_134 = arith.constant 32 : index
          %swap3A_135 = tpu.vector_load %arg9[%swap3A_133, %swap3A_134] {strides = array<i32>} : memref<16x128xf32, #tpu.memory_space<vmem>>, vector<16xf32>,
          tpu.vector_store %arg9[%swap3A_133, %swap3A_134], %gather3A_131 {strides = array<i32>} : memref<16x128xf32, #tpu.memory_space<vmem>>, vector<16xf32>,
          %add3A_136 = arith.constant 48 : i32
          %add3A_137 = vector.broadcast %add3A_136 : i32 to vector<16xi32>
          %add3A_138 = arith.addi %iota3A, %add3A_137 : vector<16xi32>
          %gather3A_139 = tpu.vector_load_idx %arg8[%add3A_138, %broadcast_in_dim3A_112] : memref<64x512xf32, #tpu.memory_space<vmem>>[vector<16xi32>, vector<16xi32>], vector<16xf32>,
          %swap3A_140 = arith.constant 0 : i32
          %swap3A_141 = arith.index_cast %swap3A_140 : i32 to index
          %swap3A_142 = arith.constant 48 : index
          %swap3A_143 = tpu.vector_load %arg9[%swap3A_141, %swap3A_142] {strides = array<i32>} : memref<16x128xf32, #tpu.memory_space<vmem>>, vector<16xf32>,
          tpu.vector_store %arg9[%swap3A_141, %swap3A_142], %gather3A_139 {strides = array<i32>} : memref<16x128xf32, #tpu.memory_space<vmem>>, vector<16xf32>,
          %slice3A_144 = vector.extract_strided_slice %sub3A_108 {offsets = [1], sizes = [1], strides = [1]} : vector<16xi32> to vector<1xi32>
          %squeeze3A_145 = vector.extract %slice3A_144[0] : i32 from vector<1xi32>
          %broadcast_in_dim3A_146 = vector.broadcast %squeeze3A_145 : i32 to vector<16xi32>
          %add3A_147 = arith.constant 0 : i32
          %add3A_148 = vector.broadcast %add3A_147 : i32 to vector<16xi32>
          %add3A_149 = arith.addi %iota3A, %add3A_148 : vector<16xi32>
          %gather3A_150 = tpu.vector_load_idx %arg8[%add3A_149, %broadcast_in_dim3A_146] : memref<64x512xf32, #tpu.memory_space<vmem>>[vector<16xi32>, vector<16xi32>], vector<16xf32>,
          %swap3A_151 = arith.constant 1 : i32
          %swap3A_152 = arith.index_cast %swap3A_151 : i32 to index
          %swap3A_153 = arith.constant 0 : index
          %swap3A_154 = tpu.vector_load %arg9[%swap3A_152, %swap3A_153] {strides = array<i32>} : memref<16x128xf32, #tpu.memory_space<vmem>>, vector<16xf32>,
          tpu.vector_store %arg9[%swap3A_152, %swap3A_153], %gather3A_150 {strides = array<i32>} : memref<16x128xf32, #tpu.memory_space<vmem>>, vector<16xf32>,
          %add3A_155 = arith.constant 16 : i32
          %add3A_156 = vector.broadcast %add3A_155 : i32 to vector<16xi32>
          %add3A_157 = arith.addi %iota3A, %add3A_156 : vector<16xi32>
          %gather3A_158 = tpu.vector_load_idx %arg8[%add3A_157, %broadcast_in_dim3A_146] : memref<64x512xf32, #tpu.memory_space<vmem>>[vector<16xi32>, vector<16xi32>], vector<16xf32>,
          %swap3A_159 = arith.constant 1 : i32
          %swap3A_160 = arith.index_cast %swap3A_159 : i32 to index
          %swap3A_161 = arith.constant 16 : index
          %swap3A_162 = tpu.vector_load %arg9[%swap3A_160, %swap3A_161] {strides = array<i32>} : memref<16x128xf32, #tpu.memory_space<vmem>>, vector<16xf32>,
          tpu.vector_store %arg9[%swap3A_160, %swap3A_161], %gather3A_158 {strides = array<i32>} : memref<16x128xf32, #tpu.memory_space<vmem>>, vector<16xf32>,
          %add3A_163 = arith.constant 32 : i32
          %add3A_164 = vector.broadcast %add3A_163 : i32 to vector<16xi32>
          %add3A_165 = arith.addi %iota3A, %add3A_164 : vector<16xi32>
          %gather3A_166 = tpu.vector_load_idx %arg8[%add3A_165, %broadcast_in_dim3A_146] : memref<64x512xf32, #tpu.memory_space<vmem>>[vector<16xi32>, vector<16xi32>], vector<16xf32>,
          %swap3A_167 = arith.constant 1 : i32
          %swap3A_168 = arith.index_cast %swap3A_167 : i32 to index
          %swap3A_169 = arith.constant 32 : index
          %swap3A_170 = tpu.vector_load %arg9[%swap3A_168, %swap3A_169] {strides = array<i32>} : memref<16x128xf32, #tpu.memory_space<vmem>>, vector<16xf32>,
          tpu.vector_store %arg9[%swap3A_168, %swap3A_169], %gather3A_166 {strides = array<i32>} : memref<16x128xf32, #tpu.memory_space<vmem>>, vector<16xf32>,
          %add3A_171 = arith.constant 48 : i32
          %add3A_172 = vector.broadcast %add3A_171 : i32 to vector<16xi32>
          %add3A_173 = arith.addi %iota3A, %add3A_172 : vector<16xi32>
          %gather3A_174 = tpu.vector_load_idx %arg8[%add3A_173, %broadcast_in_dim3A_146] : memref<64x512xf32, #tpu.memory_space<vmem>>[vector<16xi32>, vector<16xi32>], vector<16xf32>,
          %swap3A_175 = arith.constant 1 : i32
          %swap3A_176 = arith.index_cast %swap3A_175 : i32 to index
          %swap3A_177 = arith.constant 48 : index
          %swap3A_178 = tpu.vector_load %arg9[%swap3A_176, %swap3A_177] {strides = array<i32>} : memref<16x128xf32, #tpu.memory_space<vmem>>, vector<16xf32>,
          tpu.vector_store %arg9[%swap3A_176, %swap3A_177], %gather3A_174 {strides = array<i32>} : memref<16x128xf32, #tpu.memory_space<vmem>>, vector<16xf32>,
          %slice3A_179 = vector.extract_strided_slice %sub3A_108 {offsets = [2], sizes = [1], strides = [1]} : vector<16xi32> to vector<1xi32>
          %squeeze3A_180 = vector.extract %slice3A_179[0] : i32 from vector<1xi32>
          %broadcast_in_dim3A_181 = vector.broadcast %squeeze3A_180 : i32 to vector<16xi32>
          %add3A_182 = arith.constant 0 : i32
          %add3A_183 = vector.broadcast %add3A_182 : i32 to vector<16xi32>
          %add3A_184 = arith.addi %iota3A, %add3A_183 : vector<16xi32>
          %gather3A_185 = tpu.vector_load_idx %arg8[%add3A_184, %broadcast_in_dim3A_181] : memref<64x512xf32, #tpu.memory_space<vmem>>[vector<16xi32>, vector<16xi32>], vector<16xf32>,
          %swap3A_186 = arith.constant 2 : i32
          %swap3A_187 = arith.index_cast %swap3A_186 : i32 to index
          %swap3A_188 = arith.constant 0 : index
          %swap3A_189 = tpu.vector_load %arg9[%swap3A_187, %swap3A_188] {strides = array<i32>} : memref<16x128xf32, #tpu.memory_space<vmem>>, vector<16xf32>,
          tpu.vector_store %arg9[%swap3A_187, %swap3A_188], %gather3A_185 {strides = array<i32>} : memref<16x128xf32, #tpu.memory_space<vmem>>, vector<16xf32>,
          %add3A_190 = arith.constant 16 : i32
          %add3A_191 = vector.broadcast %add3A_190 : i32 to vector<16xi32>
          %add3A_192 = arith.addi %iota3A, %add3A_191 : vector<16xi32>
          %gather3A_193 = tpu.vector_load_idx %arg8[%add3A_192, %broadcast_in_dim3A_181] : memref<64x512xf32, #tpu.memory_space<vmem>>[vector<16xi32>, vector<16xi32>], vector<16xf32>,
          %swap3A_194 = arith.constant 2 : i32
          %swap3A_195 = arith.index_cast %swap3A_194 : i32 to index
          %swap3A_196 = arith.constant 16 : index
          %swap3A_197 = tpu.vector_load %arg9[%swap3A_195, %swap3A_196] {strides = array<i32>} : memref<16x128xf32, #tpu.memory_space<vmem>>, vector<16xf32>,
          tpu.vector_store %arg9[%swap3A_195, %swap3A_196], %gather3A_193 {strides = array<i32>} : memref<16x128xf32, #tpu.memory_space<vmem>>, vector<16xf32>,
          %add3A_198 = arith.constant 32 : i32
          %add3A_199 = vector.broadcast %add3A_198 : i32 to vector<16xi32>
          %add3A_200 = arith.addi %iota3A, %add3A_199 : vector<16xi32>
          %gather3A_201 = tpu.vector_load_idx %arg8[%add3A_200, %broadcast_in_dim3A_181] : memref<64x512xf32, #tpu.memory_space<vmem>>[vector<16xi32>, vector<16xi32>], vector<16xf32>,
          %swap3A_202 = arith.constant 2 : i32
          %swap3A_203 = arith.index_cast %swap3A_202 : i32 to index
          %swap3A_204 = arith.constant 32 : index
          %swap3A_205 = tpu.vector_load %arg9[%swap3A_203, %swap3A_204] {strides = array<i32>} : memref<16x128xf32, #tpu.memory_space<vmem>>, vector<16xf32>,
          tpu.vector_store %arg9[%swap3A_203, %swap3A_204], %gather3A_201 {strides = array<i32>} : memref<16x128xf32, #tpu.memory_space<vmem>>, vector<16xf32>,
          %add3A_206 = arith.constant 48 : i32
          %add3A_207 = vector.broadcast %add3A_206 : i32 to vector<16xi32>
          %add3A_208 = arith.addi %iota3A, %add3A_207 : vector<16xi32>
          %gather3A_209 = tpu.vector_load_idx %arg8[%add3A_208, %broadcast_in_dim3A_181] : memref<64x512xf32, #tpu.memory_space<vmem>>[vector<16xi32>, vector<16xi32>], vector<16xf32>,
          %swap3A_210 = arith.constant 2 : i32
          %swap3A_211 = arith.index_cast %swap3A_210 : i32 to index
          %swap3A_212 = arith.constant 48 : index
          %swap3A_213 = tpu.vector_load %arg9[%swap3A_211, %swap3A_212] {strides = array<i32>} : memref<16x128xf32, #tpu.memory_space<vmem>>, vector<16xf32>,
          tpu.vector_store %arg9[%swap3A_211, %swap3A_212], %gather3A_209 {strides = array<i32>} : memref<16x128xf32, #tpu.memory_space<vmem>>, vector<16xf32>,
          %slice3A_214 = vector.extract_strided_slice %sub3A_108 {offsets = [3], sizes = [1], strides = [1]} : vector<16xi32> to vector<1xi32>
          %squeeze3A_215 = vector.extract %slice3A_214[0] : i32 from vector<1xi32>
          %broadcast_in_dim3A_216 = vector.broadcast %squeeze3A_215 : i32 to vector<16xi32>
          %add3A_217 = arith.constant 0 : i32
          %add3A_218 = vector.broadcast %add3A_217 : i32 to vector<16xi32>
          %add3A_219 = arith.addi %iota3A, %add3A_218 : vector<16xi32>
          %gather3A_220 = tpu.vector_load_idx %arg8[%add3A_219, %broadcast_in_dim3A_216] : memref<64x512xf32, #tpu.memory_space<vmem>>[vector<16xi32>, vector<16xi32>], vector<16xf32>,
          %swap3A_221 = arith.constant 3 : i32
          %swap3A_222 = arith.index_cast %swap3A_221 : i32 to index
          %swap3A_223 = arith.constant 0 : index
          %swap3A_224 = tpu.vector_load %arg9[%swap3A_222, %swap3A_223] {strides = array<i32>} : memref<16x128xf32, #tpu.memory_space<vmem>>, vector<16xf32>,
          tpu.vector_store %arg9[%swap3A_222, %swap3A_223], %gather3A_220 {strides = array<i32>} : memref<16x128xf32, #tpu.memory_space<vmem>>, vector<16xf32>,
          %add3A_225 = arith.constant 16 : i32
          %add3A_226 = vector.broadcast %add3A_225 : i32 to vector<16xi32>
          %add3A_227 = arith.addi %iota3A, %add3A_226 : vector<16xi32>
          %gather3A_228 = tpu.vector_load_idx %arg8[%add3A_227, %broadcast_in_dim3A_216] : memref<64x512xf32, #tpu.memory_space<vmem>>[vector<16xi32>, vector<16xi32>], vector<16xf32>,
          %swap3A_229 = arith.constant 3 : i32
          %swap3A_230 = arith.index_cast %swap3A_229 : i32 to index
          %swap3A_231 = arith.constant 16 : index
          %swap3A_232 = tpu.vector_load %arg9[%swap3A_230, %swap3A_231] {strides = array<i32>} : memref<16x128xf32, #tpu.memory_space<vmem>>, vector<16xf32>,
          tpu.vector_store %arg9[%swap3A_230, %swap3A_231], %gather3A_228 {strides = array<i32>} : memref<16x128xf32, #tpu.memory_space<vmem>>, vector<16xf32>,
          %add3A_233 = arith.constant 32 : i32
          %add3A_234 = vector.broadcast %add3A_233 : i32 to vector<16xi32>
          %add3A_235 = arith.addi %iota3A, %add3A_234 : vector<16xi32>
          %gather3A_236 = tpu.vector_load_idx %arg8[%add3A_235, %broadcast_in_dim3A_216] : memref<64x512xf32, #tpu.memory_space<vmem>>[vector<16xi32>, vector<16xi32>], vector<16xf32>,
          %swap3A_237 = arith.constant 3 : i32
          %swap3A_238 = arith.index_cast %swap3A_237 : i32 to index
          %swap3A_239 = arith.constant 32 : index
          %swap3A_240 = tpu.vector_load %arg9[%swap3A_238, %swap3A_239] {strides = array<i32>} : memref<16x128xf32, #tpu.memory_space<vmem>>, vector<16xf32>,
          tpu.vector_store %arg9[%swap3A_238, %swap3A_239], %gather3A_236 {strides = array<i32>} : memref<16x128xf32, #tpu.memory_space<vmem>>, vector<16xf32>,
          %add3A_241 = arith.constant 48 : i32
          %add3A_242 = vector.broadcast %add3A_241 : i32 to vector<16xi32>
          %add3A_243 = arith.addi %iota3A, %add3A_242 : vector<16xi32>
          %gather3A_244 = tpu.vector_load_idx %arg8[%add3A_243, %broadcast_in_dim3A_216] : memref<64x512xf32, #tpu.memory_space<vmem>>[vector<16xi32>, vector<16xi32>], vector<16xf32>,
          %swap3A_245 = arith.constant 3 : i32
          %swap3A_246 = arith.index_cast %swap3A_245 : i32 to index
          %swap3A_247 = arith.constant 48 : index
          %swap3A_248 = tpu.vector_load %arg9[%swap3A_246, %swap3A_247] {strides = array<i32>} : memref<16x128xf32, #tpu.memory_space<vmem>>, vector<16xf32>,
          tpu.vector_store %arg9[%swap3A_246, %swap3A_247], %gather3A_244 {strides = array<i32>} : memref<16x128xf32, #tpu.memory_space<vmem>>, vector<16xf32>,
          %slice3A_249 = vector.extract_strided_slice %sub3A_108 {offsets = [4], sizes = [1], strides = [1]} : vector<16xi32> to vector<1xi32>
          %squeeze3A_250 = vector.extract %slice3A_249[0] : i32 from vector<1xi32>
          %broadcast_in_dim3A_251 = vector.broadcast %squeeze3A_250 : i32 to vector<16xi32>
          %add3A_252 = arith.constant 0 : i32
          %add3A_253 = vector.broadcast %add3A_252 : i32 to vector<16xi32>
          %add3A_254 = arith.addi %iota3A, %add3A_253 : vector<16xi32>
          %gather3A_255 = tpu.vector_load_idx %arg8[%add3A_254, %broadcast_in_dim3A_251] : memref<64x512xf32, #tpu.memory_space<vmem>>[vector<16xi32>, vector<16xi32>], vector<16xf32>,
          %swap3A_256 = arith.constant 4 : i32
          %swap3A_257 = arith.index_cast %swap3A_256 : i32 to index
          %swap3A_258 = arith.constant 0 : index
          %swap3A_259 = tpu.vector_load %arg9[%swap3A_257, %swap3A_258] {strides = array<i32>} : memref<16x128xf32, #tpu.memory_space<vmem>>, vector<16xf32>,
          tpu.vector_store %arg9[%swap3A_257, %swap3A_258], %gather3A_255 {strides = array<i32>} : memref<16x128xf32, #tpu.memory_space<vmem>>, vector<16xf32>,
          %add3A_260 = arith.constant 16 : i32
          %add3A_261 = vector.broadcast %add3A_260 : i32 to vector<16xi32>
          %add3A_262 = arith.addi %iota3A, %add3A_261 : vector<16xi32>
          %gather3A_263 = tpu.vector_load_idx %arg8[%add3A_262, %broadcast_in_dim3A_251] : memref<64x512xf32, #tpu.memory_space<vmem>>[vector<16xi32>, vector<16xi32>], vector<16xf32>,
          %swap3A_264 = arith.constant 4 : i32
          %swap3A_265 = arith.index_cast %swap3A_264 : i32 to index
          %swap3A_266 = arith.constant 16 : index
          %swap3A_267 = tpu.vector_load %arg9[%swap3A_265, %swap3A_266] {strides = array<i32>} : memref<16x128xf32, #tpu.memory_space<vmem>>, vector<16xf32>,
          tpu.vector_store %arg9[%swap3A_265, %swap3A_266], %gather3A_263 {strides = array<i32>} : memref<16x128xf32, #tpu.memory_space<vmem>>, vector<16xf32>,
          %add3A_268 = arith.constant 32 : i32
          %add3A_269 = vector.broadcast %add3A_268 : i32 to vector<16xi32>
          %add3A_270 = arith.addi %iota3A, %add3A_269 : vector<16xi32>
          %gather3A_271 = tpu.vector_load_idx %arg8[%add3A_270, %broadcast_in_dim3A_251] : memref<64x512xf32, #tpu.memory_space<vmem>>[vector<16xi32>, vector<16xi32>], vector<16xf32>,
          %swap3A_272 = arith.constant 4 : i32
          %swap3A_273 = arith.index_cast %swap3A_272 : i32 to index
          %swap3A_274 = arith.constant 32 : index
          %swap3A_275 = tpu.vector_load %arg9[%swap3A_273, %swap3A_274] {strides = array<i32>} : memref<16x128xf32, #tpu.memory_space<vmem>>, vector<16xf32>,
          tpu.vector_store %arg9[%swap3A_273, %swap3A_274], %gather3A_271 {strides = array<i32>} : memref<16x128xf32, #tpu.memory_space<vmem>>, vector<16xf32>,
          %add3A_276 = arith.constant 48 : i32
          %add3A_277 = vector.broadcast %add3A_276 : i32 to vector<16xi32>
          %add3A_278 = arith.addi %iota3A, %add3A_277 : vector<16xi32>
          %gather3A_279 = tpu.vector_load_idx %arg8[%add3A_278, %broadcast_in_dim3A_251] : memref<64x512xf32, #tpu.memory_space<vmem>>[vector<16xi32>, vector<16xi32>], vector<16xf32>,
          %swap3A_280 = arith.constant 4 : i32
          %swap3A_281 = arith.index_cast %swap3A_280 : i32 to index
          %swap3A_282 = arith.constant 48 : index
          %swap3A_283 = tpu.vector_load %arg9[%swap3A_281, %swap3A_282] {strides = array<i32>} : memref<16x128xf32, #tpu.memory_space<vmem>>, vector<16xf32>,
          tpu.vector_store %arg9[%swap3A_281, %swap3A_282], %gather3A_279 {strides = array<i32>} : memref<16x128xf32, #tpu.memory_space<vmem>>, vector<16xf32>,
          %slice3A_284 = vector.extract_strided_slice %sub3A_108 {offsets = [5], sizes = [1], strides = [1]} : vector<16xi32> to vector<1xi32>
          %squeeze3A_285 = vector.extract %slice3A_284[0] : i32 from vector<1xi32>
          %broadcast_in_dim3A_286 = vector.broadcast %squeeze3A_285 : i32 to vector<16xi32>
          %add3A_287 = arith.constant 0 : i32
          %add3A_288 = vector.broadcast %add3A_287 : i32 to vector<16xi32>
          %add3A_289 = arith.addi %iota3A, %add3A_288 : vector<16xi32>
          %gather3A_290 = tpu.vector_load_idx %arg8[%add3A_289, %broadcast_in_dim3A_286] : memref<64x512xf32, #tpu.memory_space<vmem>>[vector<16xi32>, vector<16xi32>], vector<16xf32>,
          %swap3A_291 = arith.constant 5 : i32
          %swap3A_292 = arith.index_cast %swap3A_291 : i32 to index
          %swap3A_293 = arith.constant 0 : index
          %swap3A_294 = tpu.vector_load %arg9[%swap3A_292, %swap3A_293] {strides = array<i32>} : memref<16x128xf32, #tpu.memory_space<vmem>>, vector<16xf32>,
          tpu.vector_store %arg9[%swap3A_292, %swap3A_293], %gather3A_290 {strides = array<i32>} : memref<16x128xf32, #tpu.memory_space<vmem>>, vector<16xf32>,
          %add3A_295 = arith.constant 16 : i32
          %add3A_296 = vector.broadcast %add3A_295 : i32 to vector<16xi32>
          %add3A_297 = arith.addi %iota3A, %add3A_296 : vector<16xi32>
          %gather3A_298 = tpu.vector_load_idx %arg8[%add3A_297, %broadcast_in_dim3A_286] : memref<64x512xf32, #tpu.memory_space<vmem>>[vector<16xi32>, vector<16xi32>], vector<16xf32>,
          %swap3A_299 = arith.constant 5 : i32
          %swap3A_300 = arith.index_cast %swap3A_299 : i32 to index
          %swap3A_301 = arith.constant 16 : index
          %swap3A_302 = tpu.vector_load %arg9[%swap3A_300, %swap3A_301] {strides = array<i32>} : memref<16x128xf32, #tpu.memory_space<vmem>>, vector<16xf32>,
          tpu.vector_store %arg9[%swap3A_300, %swap3A_301], %gather3A_298 {strides = array<i32>} : memref<16x128xf32, #tpu.memory_space<vmem>>, vector<16xf32>,
          %add3A_303 = arith.constant 32 : i32
          %add3A_304 = vector.broadcast %add3A_303 : i32 to vector<16xi32>
          %add3A_305 = arith.addi %iota3A, %add3A_304 : vector<16xi32>
          %gather3A_306 = tpu.vector_load_idx %arg8[%add3A_305, %broadcast_in_dim3A_286] : memref<64x512xf32, #tpu.memory_space<vmem>>[vector<16xi32>, vector<16xi32>], vector<16xf32>,
          %swap3A_307 = arith.constant 5 : i32
          %swap3A_308 = arith.index_cast %swap3A_307 : i32 to index
          %swap3A_309 = arith.constant 32 : index
          %swap3A_310 = tpu.vector_load %arg9[%swap3A_308, %swap3A_309] {strides = array<i32>} : memref<16x128xf32, #tpu.memory_space<vmem>>, vector<16xf32>,
          tpu.vector_store %arg9[%swap3A_308, %swap3A_309], %gather3A_306 {strides = array<i32>} : memref<16x128xf32, #tpu.memory_space<vmem>>, vector<16xf32>,
          %add3A_311 = arith.constant 48 : i32
          %add3A_312 = vector.broadcast %add3A_311 : i32 to vector<16xi32>
          %add3A_313 = arith.addi %iota3A, %add3A_312 : vector<16xi32>
          %gather3A_314 = tpu.vector_load_idx %arg8[%add3A_313, %broadcast_in_dim3A_286] : memref<64x512xf32, #tpu.memory_space<vmem>>[vector<16xi32>, vector<16xi32>], vector<16xf32>,
          %swap3A_315 = arith.constant 5 : i32
          %swap3A_316 = arith.index_cast %swap3A_315 : i32 to index
          %swap3A_317 = arith.constant 48 : index
          %swap3A_318 = tpu.vector_load %arg9[%swap3A_316, %swap3A_317] {strides = array<i32>} : memref<16x128xf32, #tpu.memory_space<vmem>>, vector<16xf32>,
          tpu.vector_store %arg9[%swap3A_316, %swap3A_317], %gather3A_314 {strides = array<i32>} : memref<16x128xf32, #tpu.memory_space<vmem>>, vector<16xf32>,
          %slice3A_319 = vector.extract_strided_slice %sub3A_108 {offsets = [6], sizes = [1], strides = [1]} : vector<16xi32> to vector<1xi32>
          %squeeze3A_320 = vector.extract %slice3A_319[0] : i32 from vector<1xi32>
          %broadcast_in_dim3A_321 = vector.broadcast %squeeze3A_320 : i32 to vector<16xi32>
          %add3A_322 = arith.constant 0 : i32
          %add3A_323 = vector.broadcast %add3A_322 : i32 to vector<16xi32>
          %add3A_324 = arith.addi %iota3A, %add3A_323 : vector<16xi32>
          %gather3A_325 = tpu.vector_load_idx %arg8[%add3A_324, %broadcast_in_dim3A_321] : memref<64x512xf32, #tpu.memory_space<vmem>>[vector<16xi32>, vector<16xi32>], vector<16xf32>,
          %swap3A_326 = arith.constant 6 : i32
          %swap3A_327 = arith.index_cast %swap3A_326 : i32 to index
          %swap3A_328 = arith.constant 0 : index
          %swap3A_329 = tpu.vector_load %arg9[%swap3A_327, %swap3A_328] {strides = array<i32>} : memref<16x128xf32, #tpu.memory_space<vmem>>, vector<16xf32>,
          tpu.vector_store %arg9[%swap3A_327, %swap3A_328], %gather3A_325 {strides = array<i32>} : memref<16x128xf32, #tpu.memory_space<vmem>>, vector<16xf32>,
          %add3A_330 = arith.constant 16 : i32
          %add3A_331 = vector.broadcast %add3A_330 : i32 to vector<16xi32>
          %add3A_332 = arith.addi %iota3A, %add3A_331 : vector<16xi32>
          %gather3A_333 = tpu.vector_load_idx %arg8[%add3A_332, %broadcast_in_dim3A_321] : memref<64x512xf32, #tpu.memory_space<vmem>>[vector<16xi32>, vector<16xi32>], vector<16xf32>,
          %swap3A_334 = arith.constant 6 : i32
          %swap3A_335 = arith.index_cast %swap3A_334 : i32 to index
          %swap3A_336 = arith.constant 16 : index
          %swap3A_337 = tpu.vector_load %arg9[%swap3A_335, %swap3A_336] {strides = array<i32>} : memref<16x128xf32, #tpu.memory_space<vmem>>, vector<16xf32>,
          tpu.vector_store %arg9[%swap3A_335, %swap3A_336], %gather3A_333 {strides = array<i32>} : memref<16x128xf32, #tpu.memory_space<vmem>>, vector<16xf32>,
          %add3A_338 = arith.constant 32 : i32
          %add3A_339 = vector.broadcast %add3A_338 : i32 to vector<16xi32>
          %add3A_340 = arith.addi %iota3A, %add3A_339 : vector<16xi32>
          %gather3A_341 = tpu.vector_load_idx %arg8[%add3A_340, %broadcast_in_dim3A_321] : memref<64x512xf32, #tpu.memory_space<vmem>>[vector<16xi32>, vector<16xi32>], vector<16xf32>,
          %swap3A_342 = arith.constant 6 : i32
          %swap3A_343 = arith.index_cast %swap3A_342 : i32 to index
          %swap3A_344 = arith.constant 32 : index
          %swap3A_345 = tpu.vector_load %arg9[%swap3A_343, %swap3A_344] {strides = array<i32>} : memref<16x128xf32, #tpu.memory_space<vmem>>, vector<16xf32>,
          tpu.vector_store %arg9[%swap3A_343, %swap3A_344], %gather3A_341 {strides = array<i32>} : memref<16x128xf32, #tpu.memory_space<vmem>>, vector<16xf32>,
          %add3A_346 = arith.constant 48 : i32
          %add3A_347 = vector.broadcast %add3A_346 : i32 to vector<16xi32>
          %add3A_348 = arith.addi %iota3A, %add3A_347 : vector<16xi32>
          %gather3A_349 = tpu.vector_load_idx %arg8[%add3A_348, %broadcast_in_dim3A_321] : memref<64x512xf32, #tpu.memory_space<vmem>>[vector<16xi32>, vector<16xi32>], vector<16xf32>,
          %swap3A_350 = arith.constant 6 : i32
          %swap3A_351 = arith.index_cast %swap3A_350 : i32 to index
          %swap3A_352 = arith.constant 48 : index
          %swap3A_353 = tpu.vector_load %arg9[%swap3A_351, %swap3A_352] {strides = array<i32>} : memref<16x128xf32, #tpu.memory_space<vmem>>, vector<16xf32>,
          tpu.vector_store %arg9[%swap3A_351, %swap3A_352], %gather3A_349 {strides = array<i32>} : memref<16x128xf32, #tpu.memory_space<vmem>>, vector<16xf32>,
          %slice3A_354 = vector.extract_strided_slice %sub3A_108 {offsets = [7], sizes = [1], strides = [1]} : vector<16xi32> to vector<1xi32>
          %squeeze3A_355 = vector.extract %slice3A_354[0] : i32 from vector<1xi32>
          %broadcast_in_dim3A_356 = vector.broadcast %squeeze3A_355 : i32 to vector<16xi32>
          %add3A_357 = arith.constant 0 : i32
          %add3A_358 = vector.broadcast %add3A_357 : i32 to vector<16xi32>
          %add3A_359 = arith.addi %iota3A, %add3A_358 : vector<16xi32>
          %gather3A_360 = tpu.vector_load_idx %arg8[%add3A_359, %broadcast_in_dim3A_356] : memref<64x512xf32, #tpu.memory_space<vmem>>[vector<16xi32>, vector<16xi32>], vector<16xf32>,
          %swap3A_361 = arith.constant 7 : i32
          %swap3A_362 = arith.index_cast %swap3A_361 : i32 to index
          %swap3A_363 = arith.constant 0 : index
          %swap3A_364 = tpu.vector_load %arg9[%swap3A_362, %swap3A_363] {strides = array<i32>} : memref<16x128xf32, #tpu.memory_space<vmem>>, vector<16xf32>,
          tpu.vector_store %arg9[%swap3A_362, %swap3A_363], %gather3A_360 {strides = array<i32>} : memref<16x128xf32, #tpu.memory_space<vmem>>, vector<16xf32>,
          %add3A_365 = arith.constant 16 : i32
          %add3A_366 = vector.broadcast %add3A_365 : i32 to vector<16xi32>
          %add3A_367 = arith.addi %iota3A, %add3A_366 : vector<16xi32>
          %gather3A_368 = tpu.vector_load_idx %arg8[%add3A_367, %broadcast_in_dim3A_356] : memref<64x512xf32, #tpu.memory_space<vmem>>[vector<16xi32>, vector<16xi32>], vector<16xf32>,
          %swap3A_369 = arith.constant 7 : i32
          %swap3A_370 = arith.index_cast %swap3A_369 : i32 to index
          %swap3A_371 = arith.constant 16 : index
          %swap3A_372 = tpu.vector_load %arg9[%swap3A_370, %swap3A_371] {strides = array<i32>} : memref<16x128xf32, #tpu.memory_space<vmem>>, vector<16xf32>,
          tpu.vector_store %arg9[%swap3A_370, %swap3A_371], %gather3A_368 {strides = array<i32>} : memref<16x128xf32, #tpu.memory_space<vmem>>, vector<16xf32>,
          %add3A_373 = arith.constant 32 : i32
          %add3A_374 = vector.broadcast %add3A_373 : i32 to vector<16xi32>
          %add3A_375 = arith.addi %iota3A, %add3A_374 : vector<16xi32>
          %gather3A_376 = tpu.vector_load_idx %arg8[%add3A_375, %broadcast_in_dim3A_356] : memref<64x512xf32, #tpu.memory_space<vmem>>[vector<16xi32>, vector<16xi32>], vector<16xf32>,
          %swap3A_377 = arith.constant 7 : i32
          %swap3A_378 = arith.index_cast %swap3A_377 : i32 to index
          %swap3A_379 = arith.constant 32 : index
          %swap3A_380 = tpu.vector_load %arg9[%swap3A_378, %swap3A_379] {strides = array<i32>} : memref<16x128xf32, #tpu.memory_space<vmem>>, vector<16xf32>,
          tpu.vector_store %arg9[%swap3A_378, %swap3A_379], %gather3A_376 {strides = array<i32>} : memref<16x128xf32, #tpu.memory_space<vmem>>, vector<16xf32>,
          %add3A_381 = arith.constant 48 : i32
          %add3A_382 = vector.broadcast %add3A_381 : i32 to vector<16xi32>
          %add3A_383 = arith.addi %iota3A, %add3A_382 : vector<16xi32>
          %gather3A_384 = tpu.vector_load_idx %arg8[%add3A_383, %broadcast_in_dim3A_356] : memref<64x512xf32, #tpu.memory_space<vmem>>[vector<16xi32>, vector<16xi32>], vector<16xf32>,
          %swap3A_385 = arith.constant 7 : i32
          %swap3A_386 = arith.index_cast %swap3A_385 : i32 to index
          %swap3A_387 = arith.constant 48 : index
          %swap3A_388 = tpu.vector_load %arg9[%swap3A_386, %swap3A_387] {strides = array<i32>} : memref<16x128xf32, #tpu.memory_space<vmem>>, vector<16xf32>,
          tpu.vector_store %arg9[%swap3A_386, %swap3A_387], %gather3A_384 {strides = array<i32>} : memref<16x128xf32, #tpu.memory_space<vmem>>, vector<16xf32>,
          %slice3A_389 = vector.extract_strided_slice %sub3A_108 {offsets = [8], sizes = [1], strides = [1]} : vector<16xi32> to vector<1xi32>
          %squeeze3A_390 = vector.extract %slice3A_389[0] : i32 from vector<1xi32>
          %broadcast_in_dim3A_391 = vector.broadcast %squeeze3A_390 : i32 to vector<16xi32>
          %add3A_392 = arith.constant 0 : i32
          %add3A_393 = vector.broadcast %add3A_392 : i32 to vector<16xi32>
          %add3A_394 = arith.addi %iota3A, %add3A_393 : vector<16xi32>
          %gather3A_395 = tpu.vector_load_idx %arg8[%add3A_394, %broadcast_in_dim3A_391] : memref<64x512xf32, #tpu.memory_space<vmem>>[vector<16xi32>, vector<16xi32>], vector<16xf32>,
          %swap3A_396 = arith.constant 8 : i32
          %swap3A_397 = arith.index_cast %swap3A_396 : i32 to index
          %swap3A_398 = arith.constant 0 : index
          %swap3A_399 = tpu.vector_load %arg9[%swap3A_397, %swap3A_398] {strides = array<i32>} : memref<16x128xf32, #tpu.memory_space<vmem>>, vector<16xf32>,
          tpu.vector_store %arg9[%swap3A_397, %swap3A_398], %gather3A_395 {strides = array<i32>} : memref<16x128xf32, #tpu.memory_space<vmem>>, vector<16xf32>,
          %add3A_400 = arith.constant 16 : i32
          %add3A_401 = vector.broadcast %add3A_400 : i32 to vector<16xi32>
          %add3A_402 = arith.addi %iota3A, %add3A_401 : vector<16xi32>
          %gather3A_403 = tpu.vector_load_idx %arg8[%add3A_402, %broadcast_in_dim3A_391] : memref<64x512xf32, #tpu.memory_space<vmem>>[vector<16xi32>, vector<16xi32>], vector<16xf32>,
          %swap3A_404 = arith.constant 8 : i32
          %swap3A_405 = arith.index_cast %swap3A_404 : i32 to index
          %swap3A_406 = arith.constant 16 : index
          %swap3A_407 = tpu.vector_load %arg9[%swap3A_405, %swap3A_406] {strides = array<i32>} : memref<16x128xf32, #tpu.memory_space<vmem>>, vector<16xf32>,
          tpu.vector_store %arg9[%swap3A_405, %swap3A_406], %gather3A_403 {strides = array<i32>} : memref<16x128xf32, #tpu.memory_space<vmem>>, vector<16xf32>,
          %add3A_408 = arith.constant 32 : i32
          %add3A_409 = vector.broadcast %add3A_408 : i32 to vector<16xi32>
          %add3A_410 = arith.addi %iota3A, %add3A_409 : vector<16xi32>
          %gather3A_411 = tpu.vector_load_idx %arg8[%add3A_410, %broadcast_in_dim3A_391] : memref<64x512xf32, #tpu.memory_space<vmem>>[vector<16xi32>, vector<16xi32>], vector<16xf32>,
          %swap3A_412 = arith.constant 8 : i32
          %swap3A_413 = arith.index_cast %swap3A_412 : i32 to index
          %swap3A_414 = arith.constant 32 : index
          %swap3A_415 = tpu.vector_load %arg9[%swap3A_413, %swap3A_414] {strides = array<i32>} : memref<16x128xf32, #tpu.memory_space<vmem>>, vector<16xf32>,
          tpu.vector_store %arg9[%swap3A_413, %swap3A_414], %gather3A_411 {strides = array<i32>} : memref<16x128xf32, #tpu.memory_space<vmem>>, vector<16xf32>,
          %add3A_416 = arith.constant 48 : i32
          %add3A_417 = vector.broadcast %add3A_416 : i32 to vector<16xi32>
          %add3A_418 = arith.addi %iota3A, %add3A_417 : vector<16xi32>
          %gather3A_419 = tpu.vector_load_idx %arg8[%add3A_418, %broadcast_in_dim3A_391] : memref<64x512xf32, #tpu.memory_space<vmem>>[vector<16xi32>, vector<16xi32>], vector<16xf32>,
          %swap3A_420 = arith.constant 8 : i32
          %swap3A_421 = arith.index_cast %swap3A_420 : i32 to index
          %swap3A_422 = arith.constant 48 : index
          %swap3A_423 = tpu.vector_load %arg9[%swap3A_421, %swap3A_422] {strides = array<i32>} : memref<16x128xf32, #tpu.memory_space<vmem>>, vector<16xf32>,
          tpu.vector_store %arg9[%swap3A_421, %swap3A_422], %gather3A_419 {strides = array<i32>} : memref<16x128xf32, #tpu.memory_space<vmem>>, vector<16xf32>,
          %slice3A_424 = vector.extract_strided_slice %sub3A_108 {offsets = [9], sizes = [1], strides = [1]} : vector<16xi32> to vector<1xi32>
          %squeeze3A_425 = vector.extract %slice3A_424[0] : i32 from vector<1xi32>
          %broadcast_in_dim3A_426 = vector.broadcast %squeeze3A_425 : i32 to vector<16xi32>
          %add3A_427 = arith.constant 0 : i32
          %add3A_428 = vector.broadcast %add3A_427 : i32 to vector<16xi32>
          %add3A_429 = arith.addi %iota3A, %add3A_428 : vector<16xi32>
          %gather3A_430 = tpu.vector_load_idx %arg8[%add3A_429, %broadcast_in_dim3A_426] : memref<64x512xf32, #tpu.memory_space<vmem>>[vector<16xi32>, vector<16xi32>], vector<16xf32>,
          %swap3A_431 = arith.constant 9 : i32
          %swap3A_432 = arith.index_cast %swap3A_431 : i32 to index
          %swap3A_433 = arith.constant 0 : index
          %swap3A_434 = tpu.vector_load %arg9[%swap3A_432, %swap3A_433] {strides = array<i32>} : memref<16x128xf32, #tpu.memory_space<vmem>>, vector<16xf32>,
          tpu.vector_store %arg9[%swap3A_432, %swap3A_433], %gather3A_430 {strides = array<i32>} : memref<16x128xf32, #tpu.memory_space<vmem>>, vector<16xf32>,
          %add3A_435 = arith.constant 16 : i32
          %add3A_436 = vector.broadcast %add3A_435 : i32 to vector<16xi32>
          %add3A_437 = arith.addi %iota3A, %add3A_436 : vector<16xi32>
          %gather3A_438 = tpu.vector_load_idx %arg8[%add3A_437, %broadcast_in_dim3A_426] : memref<64x512xf32, #tpu.memory_space<vmem>>[vector<16xi32>, vector<16xi32>], vector<16xf32>,
          %swap3A_439 = arith.constant 9 : i32
          %swap3A_440 = arith.index_cast %swap3A_439 : i32 to index
          %swap3A_441 = arith.constant 16 : index
          %swap3A_442 = tpu.vector_load %arg9[%swap3A_440, %swap3A_441] {strides = array<i32>} : memref<16x128xf32, #tpu.memory_space<vmem>>, vector<16xf32>,
          tpu.vector_store %arg9[%swap3A_440, %swap3A_441], %gather3A_438 {strides = array<i32>} : memref<16x128xf32, #tpu.memory_space<vmem>>, vector<16xf32>,
          %add3A_443 = arith.constant 32 : i32
          %add3A_444 = vector.broadcast %add3A_443 : i32 to vector<16xi32>
          %add3A_445 = arith.addi %iota3A, %add3A_444 : vector<16xi32>
          %gather3A_446 = tpu.vector_load_idx %arg8[%add3A_445, %broadcast_in_dim3A_426] : memref<64x512xf32, #tpu.memory_space<vmem>>[vector<16xi32>, vector<16xi32>], vector<16xf32>,
          %swap3A_447 = arith.constant 9 : i32
          %swap3A_448 = arith.index_cast %swap3A_447 : i32 to index
          %swap3A_449 = arith.constant 32 : index
          %swap3A_450 = tpu.vector_load %arg9[%swap3A_448, %swap3A_449] {strides = array<i32>} : memref<16x128xf32, #tpu.memory_space<vmem>>, vector<16xf32>,
          tpu.vector_store %arg9[%swap3A_448, %swap3A_449], %gather3A_446 {strides = array<i32>} : memref<16x128xf32, #tpu.memory_space<vmem>>, vector<16xf32>,
          %add3A_451 = arith.constant 48 : i32
          %add3A_452 = vector.broadcast %add3A_451 : i32 to vector<16xi32>
          %add3A_453 = arith.addi %iota3A, %add3A_452 : vector<16xi32>
          %gather3A_454 = tpu.vector_load_idx %arg8[%add3A_453, %broadcast_in_dim3A_426] : memref<64x512xf32, #tpu.memory_space<vmem>>[vector<16xi32>, vector<16xi32>], vector<16xf32>,
          %swap3A_455 = arith.constant 9 : i32
          %swap3A_456 = arith.index_cast %swap3A_455 : i32 to index
          %swap3A_457 = arith.constant 48 : index
          %swap3A_458 = tpu.vector_load %arg9[%swap3A_456, %swap3A_457] {strides = array<i32>} : memref<16x128xf32, #tpu.memory_space<vmem>>, vector<16xf32>,
          tpu.vector_store %arg9[%swap3A_456, %swap3A_457], %gather3A_454 {strides = array<i32>} : memref<16x128xf32, #tpu.memory_space<vmem>>, vector<16xf32>,
          %slice3A_459 = vector.extract_strided_slice %sub3A_108 {offsets = [10], sizes = [1], strides = [1]} : vector<16xi32> to vector<1xi32>
          %squeeze3A_460 = vector.extract %slice3A_459[0] : i32 from vector<1xi32>
          %broadcast_in_dim3A_461 = vector.broadcast %squeeze3A_460 : i32 to vector<16xi32>
          %add3A_462 = arith.constant 0 : i32
          %add3A_463 = vector.broadcast %add3A_462 : i32 to vector<16xi32>
          %add3A_464 = arith.addi %iota3A, %add3A_463 : vector<16xi32>
          %gather3A_465 = tpu.vector_load_idx %arg8[%add3A_464, %broadcast_in_dim3A_461] : memref<64x512xf32, #tpu.memory_space<vmem>>[vector<16xi32>, vector<16xi32>], vector<16xf32>,
          %swap3A_466 = arith.constant 10 : i32
          %swap3A_467 = arith.index_cast %swap3A_466 : i32 to index
          %swap3A_468 = arith.constant 0 : index
          %swap3A_469 = tpu.vector_load %arg9[%swap3A_467, %swap3A_468] {strides = array<i32>} : memref<16x128xf32, #tpu.memory_space<vmem>>, vector<16xf32>,
          tpu.vector_store %arg9[%swap3A_467, %swap3A_468], %gather3A_465 {strides = array<i32>} : memref<16x128xf32, #tpu.memory_space<vmem>>, vector<16xf32>,
          %add3A_470 = arith.constant 16 : i32
          %add3A_471 = vector.broadcast %add3A_470 : i32 to vector<16xi32>
          %add3A_472 = arith.addi %iota3A, %add3A_471 : vector<16xi32>
          %gather3A_473 = tpu.vector_load_idx %arg8[%add3A_472, %broadcast_in_dim3A_461] : memref<64x512xf32, #tpu.memory_space<vmem>>[vector<16xi32>, vector<16xi32>], vector<16xf32>,
          %swap3A_474 = arith.constant 10 : i32
          %swap3A_475 = arith.index_cast %swap3A_474 : i32 to index
          %swap3A_476 = arith.constant 16 : index
          %swap3A_477 = tpu.vector_load %arg9[%swap3A_475, %swap3A_476] {strides = array<i32>} : memref<16x128xf32, #tpu.memory_space<vmem>>, vector<16xf32>,
          tpu.vector_store %arg9[%swap3A_475, %swap3A_476], %gather3A_473 {strides = array<i32>} : memref<16x128xf32, #tpu.memory_space<vmem>>, vector<16xf32>,
          %add3A_478 = arith.constant 32 : i32
          %add3A_479 = vector.broadcast %add3A_478 : i32 to vector<16xi32>
          %add3A_480 = arith.addi %iota3A, %add3A_479 : vector<16xi32>
          %gather3A_481 = tpu.vector_load_idx %arg8[%add3A_480, %broadcast_in_dim3A_461] : memref<64x512xf32, #tpu.memory_space<vmem>>[vector<16xi32>, vector<16xi32>], vector<16xf32>,
          %swap3A_482 = arith.constant 10 : i32
          %swap3A_483 = arith.index_cast %swap3A_482 : i32 to index
          %swap3A_484 = arith.constant 32 : index
          %swap3A_485 = tpu.vector_load %arg9[%swap3A_483, %swap3A_484] {strides = array<i32>} : memref<16x128xf32, #tpu.memory_space<vmem>>, vector<16xf32>,
          tpu.vector_store %arg9[%swap3A_483, %swap3A_484], %gather3A_481 {strides = array<i32>} : memref<16x128xf32, #tpu.memory_space<vmem>>, vector<16xf32>,
          %add3A_486 = arith.constant 48 : i32
          %add3A_487 = vector.broadcast %add3A_486 : i32 to vector<16xi32>
          %add3A_488 = arith.addi %iota3A, %add3A_487 : vector<16xi32>
          %gather3A_489 = tpu.vector_load_idx %arg8[%add3A_488, %broadcast_in_dim3A_461] : memref<64x512xf32, #tpu.memory_space<vmem>>[vector<16xi32>, vector<16xi32>], vector<16xf32>,
          %swap3A_490 = arith.constant 10 : i32
          %swap3A_491 = arith.index_cast %swap3A_490 : i32 to index
          %swap3A_492 = arith.constant 48 : index
          %swap3A_493 = tpu.vector_load %arg9[%swap3A_491, %swap3A_492] {strides = array<i32>} : memref<16x128xf32, #tpu.memory_space<vmem>>, vector<16xf32>,
          tpu.vector_store %arg9[%swap3A_491, %swap3A_492], %gather3A_489 {strides = array<i32>} : memref<16x128xf32, #tpu.memory_space<vmem>>, vector<16xf32>,
          %slice3A_494 = vector.extract_strided_slice %sub3A_108 {offsets = [11], sizes = [1], strides = [1]} : vector<16xi32> to vector<1xi32>
          %squeeze3A_495 = vector.extract %slice3A_494[0] : i32 from vector<1xi32>
          %broadcast_in_dim3A_496 = vector.broadcast %squeeze3A_495 : i32 to vector<16xi32>
          %add3A_497 = arith.constant 0 : i32
          %add3A_498 = vector.broadcast %add3A_497 : i32 to vector<16xi32>
          %add3A_499 = arith.addi %iota3A, %add3A_498 : vector<16xi32>
          %gather3A_500 = tpu.vector_load_idx %arg8[%add3A_499, %broadcast_in_dim3A_496] : memref<64x512xf32, #tpu.memory_space<vmem>>[vector<16xi32>, vector<16xi32>], vector<16xf32>,
          %swap3A_501 = arith.constant 11 : i32
          %swap3A_502 = arith.index_cast %swap3A_501 : i32 to index
          %swap3A_503 = arith.constant 0 : index
          %swap3A_504 = tpu.vector_load %arg9[%swap3A_502, %swap3A_503] {strides = array<i32>} : memref<16x128xf32, #tpu.memory_space<vmem>>, vector<16xf32>,
          tpu.vector_store %arg9[%swap3A_502, %swap3A_503], %gather3A_500 {strides = array<i32>} : memref<16x128xf32, #tpu.memory_space<vmem>>, vector<16xf32>,
          %add3A_505 = arith.constant 16 : i32
          %add3A_506 = vector.broadcast %add3A_505 : i32 to vector<16xi32>
          %add3A_507 = arith.addi %iota3A, %add3A_506 : vector<16xi32>
          %gather3A_508 = tpu.vector_load_idx %arg8[%add3A_507, %broadcast_in_dim3A_496] : memref<64x512xf32, #tpu.memory_space<vmem>>[vector<16xi32>, vector<16xi32>], vector<16xf32>,
          %swap3A_509 = arith.constant 11 : i32
          %swap3A_510 = arith.index_cast %swap3A_509 : i32 to index
          %swap3A_511 = arith.constant 16 : index
          %swap3A_512 = tpu.vector_load %arg9[%swap3A_510, %swap3A_511] {strides = array<i32>} : memref<16x128xf32, #tpu.memory_space<vmem>>, vector<16xf32>,
          tpu.vector_store %arg9[%swap3A_510, %swap3A_511], %gather3A_508 {strides = array<i32>} : memref<16x128xf32, #tpu.memory_space<vmem>>, vector<16xf32>,
          %add3A_513 = arith.constant 32 : i32
          %add3A_514 = vector.broadcast %add3A_513 : i32 to vector<16xi32>
          %add3A_515 = arith.addi %iota3A, %add3A_514 : vector<16xi32>
          %gather3A_516 = tpu.vector_load_idx %arg8[%add3A_515, %broadcast_in_dim3A_496] : memref<64x512xf32, #tpu.memory_space<vmem>>[vector<16xi32>, vector<16xi32>], vector<16xf32>,
          %swap3A_517 = arith.constant 11 : i32
          %swap3A_518 = arith.index_cast %swap3A_517 : i32 to index
          %swap3A_519 = arith.constant 32 : index
          %swap3A_520 = tpu.vector_load %arg9[%swap3A_518, %swap3A_519] {strides = array<i32>} : memref<16x128xf32, #tpu.memory_space<vmem>>, vector<16xf32>,
          tpu.vector_store %arg9[%swap3A_518, %swap3A_519], %gather3A_516 {strides = array<i32>} : memref<16x128xf32, #tpu.memory_space<vmem>>, vector<16xf32>,
          %add3A_521 = arith.constant 48 : i32
          %add3A_522 = vector.broadcast %add3A_521 : i32 to vector<16xi32>
          %add3A_523 = arith.addi %iota3A, %add3A_522 : vector<16xi32>
          %gather3A_524 = tpu.vector_load_idx %arg8[%add3A_523, %broadcast_in_dim3A_496] : memref<64x512xf32, #tpu.memory_space<vmem>>[vector<16xi32>, vector<16xi32>], vector<16xf32>,
          %swap3A_525 = arith.constant 11 : i32
          %swap3A_526 = arith.index_cast %swap3A_525 : i32 to index
          %swap3A_527 = arith.constant 48 : index
          %swap3A_528 = tpu.vector_load %arg9[%swap3A_526, %swap3A_527] {strides = array<i32>} : memref<16x128xf32, #tpu.memory_space<vmem>>, vector<16xf32>,
          tpu.vector_store %arg9[%swap3A_526, %swap3A_527], %gather3A_524 {strides = array<i32>} : memref<16x128xf32, #tpu.memory_space<vmem>>, vector<16xf32>,
          %slice3A_529 = vector.extract_strided_slice %sub3A_108 {offsets = [12], sizes = [1], strides = [1]} : vector<16xi32> to vector<1xi32>
          %squeeze3A_530 = vector.extract %slice3A_529[0] : i32 from vector<1xi32>
          %broadcast_in_dim3A_531 = vector.broadcast %squeeze3A_530 : i32 to vector<16xi32>
          %add3A_532 = arith.constant 0 : i32
          %add3A_533 = vector.broadcast %add3A_532 : i32 to vector<16xi32>
          %add3A_534 = arith.addi %iota3A, %add3A_533 : vector<16xi32>
          %gather3A_535 = tpu.vector_load_idx %arg8[%add3A_534, %broadcast_in_dim3A_531] : memref<64x512xf32, #tpu.memory_space<vmem>>[vector<16xi32>, vector<16xi32>], vector<16xf32>,
          %swap3A_536 = arith.constant 12 : i32
          %swap3A_537 = arith.index_cast %swap3A_536 : i32 to index
          %swap3A_538 = arith.constant 0 : index
          %swap3A_539 = tpu.vector_load %arg9[%swap3A_537, %swap3A_538] {strides = array<i32>} : memref<16x128xf32, #tpu.memory_space<vmem>>, vector<16xf32>,
          tpu.vector_store %arg9[%swap3A_537, %swap3A_538], %gather3A_535 {strides = array<i32>} : memref<16x128xf32, #tpu.memory_space<vmem>>, vector<16xf32>,
          %add3A_540 = arith.constant 16 : i32
          %add3A_541 = vector.broadcast %add3A_540 : i32 to vector<16xi32>
          %add3A_542 = arith.addi %iota3A, %add3A_541 : vector<16xi32>
          %gather3A_543 = tpu.vector_load_idx %arg8[%add3A_542, %broadcast_in_dim3A_531] : memref<64x512xf32, #tpu.memory_space<vmem>>[vector<16xi32>, vector<16xi32>], vector<16xf32>,
          %swap3A_544 = arith.constant 12 : i32
          %swap3A_545 = arith.index_cast %swap3A_544 : i32 to index
          %swap3A_546 = arith.constant 16 : index
          %swap3A_547 = tpu.vector_load %arg9[%swap3A_545, %swap3A_546] {strides = array<i32>} : memref<16x128xf32, #tpu.memory_space<vmem>>, vector<16xf32>,
          tpu.vector_store %arg9[%swap3A_545, %swap3A_546], %gather3A_543 {strides = array<i32>} : memref<16x128xf32, #tpu.memory_space<vmem>>, vector<16xf32>,
          %add3A_548 = arith.constant 32 : i32
          %add3A_549 = vector.broadcast %add3A_548 : i32 to vector<16xi32>
          %add3A_550 = arith.addi %iota3A, %add3A_549 : vector<16xi32>
          %gather3A_551 = tpu.vector_load_idx %arg8[%add3A_550, %broadcast_in_dim3A_531] : memref<64x512xf32, #tpu.memory_space<vmem>>[vector<16xi32>, vector<16xi32>], vector<16xf32>,
          %swap3A_552 = arith.constant 12 : i32
          %swap3A_553 = arith.index_cast %swap3A_552 : i32 to index
          %swap3A_554 = arith.constant 32 : index
          %swap3A_555 = tpu.vector_load %arg9[%swap3A_553, %swap3A_554] {strides = array<i32>} : memref<16x128xf32, #tpu.memory_space<vmem>>, vector<16xf32>,
          tpu.vector_store %arg9[%swap3A_553, %swap3A_554], %gather3A_551 {strides = array<i32>} : memref<16x128xf32, #tpu.memory_space<vmem>>, vector<16xf32>,
          %add3A_556 = arith.constant 48 : i32
          %add3A_557 = vector.broadcast %add3A_556 : i32 to vector<16xi32>
          %add3A_558 = arith.addi %iota3A, %add3A_557 : vector<16xi32>
          %gather3A_559 = tpu.vector_load_idx %arg8[%add3A_558, %broadcast_in_dim3A_531] : memref<64x512xf32, #tpu.memory_space<vmem>>[vector<16xi32>, vector<16xi32>], vector<16xf32>,
          %swap3A_560 = arith.constant 12 : i32
          %swap3A_561 = arith.index_cast %swap3A_560 : i32 to index
          %swap3A_562 = arith.constant 48 : index
          %swap3A_563 = tpu.vector_load %arg9[%swap3A_561, %swap3A_562] {strides = array<i32>} : memref<16x128xf32, #tpu.memory_space<vmem>>, vector<16xf32>,
          tpu.vector_store %arg9[%swap3A_561, %swap3A_562], %gather3A_559 {strides = array<i32>} : memref<16x128xf32, #tpu.memory_space<vmem>>, vector<16xf32>,
          %slice3A_564 = vector.extract_strided_slice %sub3A_108 {offsets = [13], sizes = [1], strides = [1]} : vector<16xi32> to vector<1xi32>
          %squeeze3A_565 = vector.extract %slice3A_564[0] : i32 from vector<1xi32>
          %broadcast_in_dim3A_566 = vector.broadcast %squeeze3A_565 : i32 to vector<16xi32>
          %add3A_567 = arith.constant 0 : i32
          %add3A_568 = vector.broadcast %add3A_567 : i32 to vector<16xi32>
          %add3A_569 = arith.addi %iota3A, %add3A_568 : vector<16xi32>
          %gather3A_570 = tpu.vector_load_idx %arg8[%add3A_569, %broadcast_in_dim3A_566] : memref<64x512xf32, #tpu.memory_space<vmem>>[vector<16xi32>, vector<16xi32>], vector<16xf32>,
          %swap3A_571 = arith.constant 13 : i32
          %swap3A_572 = arith.index_cast %swap3A_571 : i32 to index
          %swap3A_573 = arith.constant 0 : index
          %swap3A_574 = tpu.vector_load %arg9[%swap3A_572, %swap3A_573] {strides = array<i32>} : memref<16x128xf32, #tpu.memory_space<vmem>>, vector<16xf32>,
          tpu.vector_store %arg9[%swap3A_572, %swap3A_573], %gather3A_570 {strides = array<i32>} : memref<16x128xf32, #tpu.memory_space<vmem>>, vector<16xf32>,
          %add3A_575 = arith.constant 16 : i32
          %add3A_576 = vector.broadcast %add3A_575 : i32 to vector<16xi32>
          %add3A_577 = arith.addi %iota3A, %add3A_576 : vector<16xi32>
          %gather3A_578 = tpu.vector_load_idx %arg8[%add3A_577, %broadcast_in_dim3A_566] : memref<64x512xf32, #tpu.memory_space<vmem>>[vector<16xi32>, vector<16xi32>], vector<16xf32>,
          %swap3A_579 = arith.constant 13 : i32
          %swap3A_580 = arith.index_cast %swap3A_579 : i32 to index
          %swap3A_581 = arith.constant 16 : index
          %swap3A_582 = tpu.vector_load %arg9[%swap3A_580, %swap3A_581] {strides = array<i32>} : memref<16x128xf32, #tpu.memory_space<vmem>>, vector<16xf32>,
          tpu.vector_store %arg9[%swap3A_580, %swap3A_581], %gather3A_578 {strides = array<i32>} : memref<16x128xf32, #tpu.memory_space<vmem>>, vector<16xf32>,
          %add3A_583 = arith.constant 32 : i32
          %add3A_584 = vector.broadcast %add3A_583 : i32 to vector<16xi32>
          %add3A_585 = arith.addi %iota3A, %add3A_584 : vector<16xi32>
          %gather3A_586 = tpu.vector_load_idx %arg8[%add3A_585, %broadcast_in_dim3A_566] : memref<64x512xf32, #tpu.memory_space<vmem>>[vector<16xi32>, vector<16xi32>], vector<16xf32>,
          %swap3A_587 = arith.constant 13 : i32
          %swap3A_588 = arith.index_cast %swap3A_587 : i32 to index
          %swap3A_589 = arith.constant 32 : index
          %swap3A_590 = tpu.vector_load %arg9[%swap3A_588, %swap3A_589] {strides = array<i32>} : memref<16x128xf32, #tpu.memory_space<vmem>>, vector<16xf32>,
          tpu.vector_store %arg9[%swap3A_588, %swap3A_589], %gather3A_586 {strides = array<i32>} : memref<16x128xf32, #tpu.memory_space<vmem>>, vector<16xf32>,
          %add3A_591 = arith.constant 48 : i32
          %add3A_592 = vector.broadcast %add3A_591 : i32 to vector<16xi32>
          %add3A_593 = arith.addi %iota3A, %add3A_592 : vector<16xi32>
          %gather3A_594 = tpu.vector_load_idx %arg8[%add3A_593, %broadcast_in_dim3A_566] : memref<64x512xf32, #tpu.memory_space<vmem>>[vector<16xi32>, vector<16xi32>], vector<16xf32>,
          %swap3A_595 = arith.constant 13 : i32
          %swap3A_596 = arith.index_cast %swap3A_595 : i32 to index
          %swap3A_597 = arith.constant 48 : index
          %swap3A_598 = tpu.vector_load %arg9[%swap3A_596, %swap3A_597] {strides = array<i32>} : memref<16x128xf32, #tpu.memory_space<vmem>>, vector<16xf32>,
          tpu.vector_store %arg9[%swap3A_596, %swap3A_597], %gather3A_594 {strides = array<i32>} : memref<16x128xf32, #tpu.memory_space<vmem>>, vector<16xf32>,
          %slice3A_599 = vector.extract_strided_slice %sub3A_108 {offsets = [14], sizes = [1], strides = [1]} : vector<16xi32> to vector<1xi32>
          %squeeze3A_600 = vector.extract %slice3A_599[0] : i32 from vector<1xi32>
          %broadcast_in_dim3A_601 = vector.broadcast %squeeze3A_600 : i32 to vector<16xi32>
          %add3A_602 = arith.constant 0 : i32
          %add3A_603 = vector.broadcast %add3A_602 : i32 to vector<16xi32>
          %add3A_604 = arith.addi %iota3A, %add3A_603 : vector<16xi32>
          %gather3A_605 = tpu.vector_load_idx %arg8[%add3A_604, %broadcast_in_dim3A_601] : memref<64x512xf32, #tpu.memory_space<vmem>>[vector<16xi32>, vector<16xi32>], vector<16xf32>,
          %swap3A_606 = arith.constant 14 : i32
          %swap3A_607 = arith.index_cast %swap3A_606 : i32 to index
          %swap3A_608 = arith.constant 0 : index
          %swap3A_609 = tpu.vector_load %arg9[%swap3A_607, %swap3A_608] {strides = array<i32>} : memref<16x128xf32, #tpu.memory_space<vmem>>, vector<16xf32>,
          tpu.vector_store %arg9[%swap3A_607, %swap3A_608], %gather3A_605 {strides = array<i32>} : memref<16x128xf32, #tpu.memory_space<vmem>>, vector<16xf32>,
          %add3A_610 = arith.constant 16 : i32
          %add3A_611 = vector.broadcast %add3A_610 : i32 to vector<16xi32>
          %add3A_612 = arith.addi %iota3A, %add3A_611 : vector<16xi32>
          %gather3A_613 = tpu.vector_load_idx %arg8[%add3A_612, %broadcast_in_dim3A_601] : memref<64x512xf32, #tpu.memory_space<vmem>>[vector<16xi32>, vector<16xi32>], vector<16xf32>,
          %swap3A_614 = arith.constant 14 : i32
          %swap3A_615 = arith.index_cast %swap3A_614 : i32 to index
          %swap3A_616 = arith.constant 16 : index
          %swap3A_617 = tpu.vector_load %arg9[%swap3A_615, %swap3A_616] {strides = array<i32>} : memref<16x128xf32, #tpu.memory_space<vmem>>, vector<16xf32>,
          tpu.vector_store %arg9[%swap3A_615, %swap3A_616], %gather3A_613 {strides = array<i32>} : memref<16x128xf32, #tpu.memory_space<vmem>>, vector<16xf32>,
          %add3A_618 = arith.constant 32 : i32
          %add3A_619 = vector.broadcast %add3A_618 : i32 to vector<16xi32>
          %add3A_620 = arith.addi %iota3A, %add3A_619 : vector<16xi32>
          %gather3A_621 = tpu.vector_load_idx %arg8[%add3A_620, %broadcast_in_dim3A_601] : memref<64x512xf32, #tpu.memory_space<vmem>>[vector<16xi32>, vector<16xi32>], vector<16xf32>,
          %swap3A_622 = arith.constant 14 : i32
          %swap3A_623 = arith.index_cast %swap3A_622 : i32 to index
          %swap3A_624 = arith.constant 32 : index
          %swap3A_625 = tpu.vector_load %arg9[%swap3A_623, %swap3A_624] {strides = array<i32>} : memref<16x128xf32, #tpu.memory_space<vmem>>, vector<16xf32>,
          tpu.vector_store %arg9[%swap3A_623, %swap3A_624], %gather3A_621 {strides = array<i32>} : memref<16x128xf32, #tpu.memory_space<vmem>>, vector<16xf32>,
          %add3A_626 = arith.constant 48 : i32
          %add3A_627 = vector.broadcast %add3A_626 : i32 to vector<16xi32>
          %add3A_628 = arith.addi %iota3A, %add3A_627 : vector<16xi32>
          %gather3A_629 = tpu.vector_load_idx %arg8[%add3A_628, %broadcast_in_dim3A_601] : memref<64x512xf32, #tpu.memory_space<vmem>>[vector<16xi32>, vector<16xi32>], vector<16xf32>,
          %swap3A_630 = arith.constant 14 : i32
          %swap3A_631 = arith.index_cast %swap3A_630 : i32 to index
          %swap3A_632 = arith.constant 48 : index
          %swap3A_633 = tpu.vector_load %arg9[%swap3A_631, %swap3A_632] {strides = array<i32>} : memref<16x128xf32, #tpu.memory_space<vmem>>, vector<16xf32>,
          tpu.vector_store %arg9[%swap3A_631, %swap3A_632], %gather3A_629 {strides = array<i32>} : memref<16x128xf32, #tpu.memory_space<vmem>>, vector<16xf32>,
          %slice3A_634 = vector.extract_strided_slice %sub3A_108 {offsets = [15], sizes = [1], strides = [1]} : vector<16xi32> to vector<1xi32>
          %squeeze3A_635 = vector.extract %slice3A_634[0] : i32 from vector<1xi32>
          %broadcast_in_dim3A_636 = vector.broadcast %squeeze3A_635 : i32 to vector<16xi32>
          %add3A_637 = arith.constant 0 : i32
          %add3A_638 = vector.broadcast %add3A_637 : i32 to vector<16xi32>
          %add3A_639 = arith.addi %iota3A, %add3A_638 : vector<16xi32>
          %gather3A_640 = tpu.vector_load_idx %arg8[%add3A_639, %broadcast_in_dim3A_636] : memref<64x512xf32, #tpu.memory_space<vmem>>[vector<16xi32>, vector<16xi32>], vector<16xf32>,
          %swap3A_641 = arith.constant 15 : i32
          %swap3A_642 = arith.index_cast %swap3A_641 : i32 to index
          %swap3A_643 = arith.constant 0 : index
          %swap3A_644 = tpu.vector_load %arg9[%swap3A_642, %swap3A_643] {strides = array<i32>} : memref<16x128xf32, #tpu.memory_space<vmem>>, vector<16xf32>,
          tpu.vector_store %arg9[%swap3A_642, %swap3A_643], %gather3A_640 {strides = array<i32>} : memref<16x128xf32, #tpu.memory_space<vmem>>, vector<16xf32>,
          %add3A_645 = arith.constant 16 : i32
          %add3A_646 = vector.broadcast %add3A_645 : i32 to vector<16xi32>
          %add3A_647 = arith.addi %iota3A, %add3A_646 : vector<16xi32>
          %gather3A_648 = tpu.vector_load_idx %arg8[%add3A_647, %broadcast_in_dim3A_636] : memref<64x512xf32, #tpu.memory_space<vmem>>[vector<16xi32>, vector<16xi32>], vector<16xf32>,
          %swap3A_649 = arith.constant 15 : i32
          %swap3A_650 = arith.index_cast %swap3A_649 : i32 to index
          %swap3A_651 = arith.constant 16 : index
          %swap3A_652 = tpu.vector_load %arg9[%swap3A_650, %swap3A_651] {strides = array<i32>} : memref<16x128xf32, #tpu.memory_space<vmem>>, vector<16xf32>,
          tpu.vector_store %arg9[%swap3A_650, %swap3A_651], %gather3A_648 {strides = array<i32>} : memref<16x128xf32, #tpu.memory_space<vmem>>, vector<16xf32>,
          %add3A_653 = arith.constant 32 : i32
          %add3A_654 = vector.broadcast %add3A_653 : i32 to vector<16xi32>
          %add3A_655 = arith.addi %iota3A, %add3A_654 : vector<16xi32>
          %gather3A_656 = tpu.vector_load_idx %arg8[%add3A_655, %broadcast_in_dim3A_636] : memref<64x512xf32, #tpu.memory_space<vmem>>[vector<16xi32>, vector<16xi32>], vector<16xf32>,
          %swap3A_657 = arith.constant 15 : i32
          %swap3A_658 = arith.index_cast %swap3A_657 : i32 to index
          %swap3A_659 = arith.constant 32 : index
          %swap3A_660 = tpu.vector_load %arg9[%swap3A_658, %swap3A_659] {strides = array<i32>} : memref<16x128xf32, #tpu.memory_space<vmem>>, vector<16xf32>,
          tpu.vector_store %arg9[%swap3A_658, %swap3A_659], %gather3A_656 {strides = array<i32>} : memref<16x128xf32, #tpu.memory_space<vmem>>, vector<16xf32>,
          %add3A_661 = arith.constant 48 : i32
          %add3A_662 = vector.broadcast %add3A_661 : i32 to vector<16xi32>
          %add3A_663 = arith.addi %iota3A, %add3A_662 : vector<16xi32>
          %gather3A_664 = tpu.vector_load_idx %arg8[%add3A_663, %broadcast_in_dim3A_636] : memref<64x512xf32, #tpu.memory_space<vmem>>[vector<16xi32>, vector<16xi32>], vector<16xf32>,
          %swap3A_665 = arith.constant 15 : i32
          %swap3A_666 = arith.index_cast %swap3A_665 : i32 to index
          %swap3A_667 = arith.constant 48 : index
          %swap3A_668 = tpu.vector_load %arg9[%swap3A_666, %swap3A_667] {strides = array<i32>} : memref<16x128xf32, #tpu.memory_space<vmem>>, vector<16xf32>,
          tpu.vector_store %arg9[%swap3A_666, %swap3A_667], %gather3A_664 {strides = array<i32>} : memref<16x128xf32, #tpu.memory_space<vmem>>, vector<16xf32>,
          %dma_start3A = arith.constant 0 : i32
          %dma_start3A_669 = arith.constant 0 : i32
          %dma_start3A_670 = tpu.memref_slice %arg4[%dma_start3A, %dma_start3A_669] : memref<16392x128xf32, #tpu.memory_space<hbm>> -> memref<16392x128xf32, #tpu.memory_space<hbm>>
          tpu.enqueue_indirect_dma source(%arg9 : memref<16x128xf32, #tpu.memory_space<vmem>>) target(%dma_start3A_670 : memref<16392x128xf32, #tpu.memory_space<hbm>>) offsets(%and3A_111 : vector<16xi32>) semaphore(%arg10 : memref<!tpu.dma_semaphore, #tpu.memory_space<semaphore_mem>>)
          %dma_wait3A = arith.constant 0 : i32
          %dma_wait3A_671 = arith.constant 0 : i32
          %dma_wait3A_672 = tpu.memref_slice %arg4[%dma_wait3A, %dma_wait3A_671] : memref<16392x128xf32, #tpu.memory_space<hbm>> -> memref<16392x128xf32, #tpu.memory_space<hbm>>
          tpu.wait_indirect_dma semaphore(%arg10 : memref<!tpu.dma_semaphore, #tpu.memory_space<semaphore_mem>>) src(%arg9 : memref<16x128xf32, #tpu.memory_space<vmem>>) dst(%dma_wait3A_672 : memref<16392x128xf32, #tpu.memory_space<hbm>>)
        }
        %while3A_100 = arith.constant 1 : i32
        scf.for %while3A_101 = %while3A_98 to %while3A_94 step %while3A_100  : i32 {
          %mul3A_102 = arith.constant 16 : i32
          %mul3A_103 = arith.muli %while3A_101, %mul3A_102 : i32
          %get3A = arith.index_cast %mul3A_103 : i32 to index
          %get3A_104 = tpu.vector_load %arg7[%get3A] {strides = array<i32>} : memref<16448xi32, #tpu.memory_space<vmem>>, vector<16xi32>,
          %shift_right_arithmetic3A = arith.constant 15 : i32
          %shift_right_arithmetic3A_105 = vector.broadcast %shift_right_arithmetic3A : i32 to vector<16xi32>
          %shift_right_arithmetic3A_106 = arith.shrsi %get3A_104, %shift_right_arithmetic3A_105 : vector<16xi32>
          %sub3A_107 = vector.broadcast %sub3A : i32 to vector<16xi32>
          %sub3A_108 = arith.subi %shift_right_arithmetic3A_106, %sub3A_107 : vector<16xi32>
          %and3A_109 = arith.constant 32767 : i32
          %and3A_110 = vector.broadcast %and3A_109 : i32 to vector<16xi32>
          %and3A_111 = arith.andi %get3A_104, %and3A_110 : vector<16xi32>
          %slice3A = vector.extract_strided_slice %sub3A_108 {offsets = [0], sizes = [1], strides = [1]} : vector<16xi32> to vector<1xi32>
          %squeeze3A = vector.extract %slice3A[0] : i32 from vector<1xi32>
          %broadcast_in_dim3A_112 = vector.broadcast %squeeze3A : i32 to vector<16xi32>
          %add3A_113 = arith.constant 0 : i32
          %add3A_114 = vector.broadcast %add3A_113 : i32 to vector<16xi32>
          %add3A_115 = arith.addi %iota3A, %add3A_114 : vector<16xi32>
          %gather3A = tpu.vector_load_idx %arg8[%add3A_115, %broadcast_in_dim3A_112] : memref<64x512xf32, #tpu.memory_space<vmem>>[vector<16xi32>, vector<16xi32>], vector<16xf32>,
          %swap3A_116 = arith.constant 0 : i32
          %swap3A_117 = arith.index_cast %swap3A_116 : i32 to index
          %swap3A_118 = arith.constant 0 : index
          %swap3A_119 = tpu.vector_load %arg9[%swap3A_117, %swap3A_118] {strides = array<i32>} : memref<16x128xf32, #tpu.memory_space<vmem>>, vector<16xf32>,
          tpu.vector_store %arg9[%swap3A_117, %swap3A_118], %gather3A {strides = array<i32>} : memref<16x128xf32, #tpu.memory_space<vmem>>, vector<16xf32>,
          %add3A_120 = arith.constant 16 : i32
          %add3A_121 = vector.broadcast %add3A_120 : i32 to vector<16xi32>
          %add3A_122 = arith.addi %iota3A, %add3A_121 : vector<16xi32>
          %gather3A_123 = tpu.vector_load_idx %arg8[%add3A_122, %broadcast_in_dim3A_112] : memref<64x512xf32, #tpu.memory_space<vmem>>[vector<16xi32>, vector<16xi32>], vector<16xf32>,
          %swap3A_124 = arith.constant 0 : i32
          %swap3A_125 = arith.index_cast %swap3A_124 : i32 to index
          %swap3A_126 = arith.constant 16 : index
          %swap3A_127 = tpu.vector_load %arg9[%swap3A_125, %swap3A_126] {strides = array<i32>} : memref<16x128xf32, #tpu.memory_space<vmem>>, vector<16xf32>,
          tpu.vector_store %arg9[%swap3A_125, %swap3A_126], %gather3A_123 {strides = array<i32>} : memref<16x128xf32, #tpu.memory_space<vmem>>, vector<16xf32>,
          %add3A_128 = arith.constant 32 : i32
          %add3A_129 = vector.broadcast %add3A_128 : i32 to vector<16xi32>
          %add3A_130 = arith.addi %iota3A, %add3A_129 : vector<16xi32>
          %gather3A_131 = tpu.vector_load_idx %arg8[%add3A_130, %broadcast_in_dim3A_112] : memref<64x512xf32, #tpu.memory_space<vmem>>[vector<16xi32>, vector<16xi32>], vector<16xf32>,
          %swap3A_132 = arith.constant 0 : i32
          %swap3A_133 = arith.index_cast %swap3A_132 : i32 to index
          %swap3A_134 = arith.constant 32 : index
          %swap3A_135 = tpu.vector_load %arg9[%swap3A_133, %swap3A_134] {strides = array<i32>} : memref<16x128xf32, #tpu.memory_space<vmem>>, vector<16xf32>,
          tpu.vector_store %arg9[%swap3A_133, %swap3A_134], %gather3A_131 {strides = array<i32>} : memref<16x128xf32, #tpu.memory_space<vmem>>, vector<16xf32>,
          %add3A_136 = arith.constant 48 : i32
          %add3A_137 = vector.broadcast %add3A_136 : i32 to vector<16xi32>
          %add3A_138 = arith.addi %iota3A, %add3A_137 : vector<16xi32>
          %gather3A_139 = tpu.vector_load_idx %arg8[%add3A_138, %broadcast_in_dim3A_112] : memref<64x512xf32, #tpu.memory_space<vmem>>[vector<16xi32>, vector<16xi32>], vector<16xf32>,
          %swap3A_140 = arith.constant 0 : i32
          %swap3A_141 = arith.index_cast %swap3A_140 : i32 to index
          %swap3A_142 = arith.constant 48 : index
          %swap3A_143 = tpu.vector_load %arg9[%swap3A_141, %swap3A_142] {strides = array<i32>} : memref<16x128xf32, #tpu.memory_space<vmem>>, vector<16xf32>,
          tpu.vector_store %arg9[%swap3A_141, %swap3A_142], %gather3A_139 {strides = array<i32>} : memref<16x128xf32, #tpu.memory_space<vmem>>, vector<16xf32>,
          %slice3A_144 = vector.extract_strided_slice %sub3A_108 {offsets = [1], sizes = [1], strides = [1]} : vector<16xi32> to vector<1xi32>
          %squeeze3A_145 = vector.extract %slice3A_144[0] : i32 from vector<1xi32>
          %broadcast_in_dim3A_146 = vector.broadcast %squeeze3A_145 : i32 to vector<16xi32>
          %add3A_147 = arith.constant 0 : i32
          %add3A_148 = vector.broadcast %add3A_147 : i32 to vector<16xi32>
          %add3A_149 = arith.addi %iota3A, %add3A_148 : vector<16xi32>
          %gather3A_150 = tpu.vector_load_idx %arg8[%add3A_149, %broadcast_in_dim3A_146] : memref<64x512xf32, #tpu.memory_space<vmem>>[vector<16xi32>, vector<16xi32>], vector<16xf32>,
          %swap3A_151 = arith.constant 1 : i32
          %swap3A_152 = arith.index_cast %swap3A_151 : i32 to index
          %swap3A_153 = arith.constant 0 : index
          %swap3A_154 = tpu.vector_load %arg9[%swap3A_152, %swap3A_153] {strides = array<i32>} : memref<16x128xf32, #tpu.memory_space<vmem>>, vector<16xf32>,
          tpu.vector_store %arg9[%swap3A_152, %swap3A_153], %gather3A_150 {strides = array<i32>} : memref<16x128xf32, #tpu.memory_space<vmem>>, vector<16xf32>,
          %add3A_155 = arith.constant 16 : i32
          %add3A_156 = vector.broadcast %add3A_155 : i32 to vector<16xi32>
          %add3A_157 = arith.addi %iota3A, %add3A_156 : vector<16xi32>
          %gather3A_158 = tpu.vector_load_idx %arg8[%add3A_157, %broadcast_in_dim3A_146] : memref<64x512xf32, #tpu.memory_space<vmem>>[vector<16xi32>, vector<16xi32>], vector<16xf32>,
          %swap3A_159 = arith.constant 1 : i32
          %swap3A_160 = arith.index_cast %swap3A_159 : i32 to index
          %swap3A_161 = arith.constant 16 : index
          %swap3A_162 = tpu.vector_load %arg9[%swap3A_160, %swap3A_161] {strides = array<i32>} : memref<16x128xf32, #tpu.memory_space<vmem>>, vector<16xf32>,
          tpu.vector_store %arg9[%swap3A_160, %swap3A_161], %gather3A_158 {strides = array<i32>} : memref<16x128xf32, #tpu.memory_space<vmem>>, vector<16xf32>,
          %add3A_163 = arith.constant 32 : i32
          %add3A_164 = vector.broadcast %add3A_163 : i32 to vector<16xi32>
          %add3A_165 = arith.addi %iota3A, %add3A_164 : vector<16xi32>
          %gather3A_166 = tpu.vector_load_idx %arg8[%add3A_165, %broadcast_in_dim3A_146] : memref<64x512xf32, #tpu.memory_space<vmem>>[vector<16xi32>, vector<16xi32>], vector<16xf32>,
          %swap3A_167 = arith.constant 1 : i32
          %swap3A_168 = arith.index_cast %swap3A_167 : i32 to index
          %swap3A_169 = arith.constant 32 : index
          %swap3A_170 = tpu.vector_load %arg9[%swap3A_168, %swap3A_169] {strides = array<i32>} : memref<16x128xf32, #tpu.memory_space<vmem>>, vector<16xf32>,
          tpu.vector_store %arg9[%swap3A_168, %swap3A_169], %gather3A_166 {strides = array<i32>} : memref<16x128xf32, #tpu.memory_space<vmem>>, vector<16xf32>,
          %add3A_171 = arith.constant 48 : i32
          %add3A_172 = vector.broadcast %add3A_171 : i32 to vector<16xi32>
          %add3A_173 = arith.addi %iota3A, %add3A_172 : vector<16xi32>
          %gather3A_174 = tpu.vector_load_idx %arg8[%add3A_173, %broadcast_in_dim3A_146] : memref<64x512xf32, #tpu.memory_space<vmem>>[vector<16xi32>, vector<16xi32>], vector<16xf32>,
          %swap3A_175 = arith.constant 1 : i32
          %swap3A_176 = arith.index_cast %swap3A_175 : i32 to index
          %swap3A_177 = arith.constant 48 : index
          %swap3A_178 = tpu.vector_load %arg9[%swap3A_176, %swap3A_177] {strides = array<i32>} : memref<16x128xf32, #tpu.memory_space<vmem>>, vector<16xf32>,
          tpu.vector_store %arg9[%swap3A_176, %swap3A_177], %gather3A_174 {strides = array<i32>} : memref<16x128xf32, #tpu.memory_space<vmem>>, vector<16xf32>,
          %slice3A_179 = vector.extract_strided_slice %sub3A_108 {offsets = [2], sizes = [1], strides = [1]} : vector<16xi32> to vector<1xi32>
          %squeeze3A_180 = vector.extract %slice3A_179[0] : i32 from vector<1xi32>
          %broadcast_in_dim3A_181 = vector.broadcast %squeeze3A_180 : i32 to vector<16xi32>
          %add3A_182 = arith.constant 0 : i32
          %add3A_183 = vector.broadcast %add3A_182 : i32 to vector<16xi32>
          %add3A_184 = arith.addi %iota3A, %add3A_183 : vector<16xi32>
          %gather3A_185 = tpu.vector_load_idx %arg8[%add3A_184, %broadcast_in_dim3A_181] : memref<64x512xf32, #tpu.memory_space<vmem>>[vector<16xi32>, vector<16xi32>], vector<16xf32>,
          %swap3A_186 = arith.constant 2 : i32
          %swap3A_187 = arith.index_cast %swap3A_186 : i32 to index
          %swap3A_188 = arith.constant 0 : index
          %swap3A_189 = tpu.vector_load %arg9[%swap3A_187, %swap3A_188] {strides = array<i32>} : memref<16x128xf32, #tpu.memory_space<vmem>>, vector<16xf32>,
          tpu.vector_store %arg9[%swap3A_187, %swap3A_188], %gather3A_185 {strides = array<i32>} : memref<16x128xf32, #tpu.memory_space<vmem>>, vector<16xf32>,
          %add3A_190 = arith.constant 16 : i32
          %add3A_191 = vector.broadcast %add3A_190 : i32 to vector<16xi32>
          %add3A_192 = arith.addi %iota3A, %add3A_191 : vector<16xi32>
          %gather3A_193 = tpu.vector_load_idx %arg8[%add3A_192, %broadcast_in_dim3A_181] : memref<64x512xf32, #tpu.memory_space<vmem>>[vector<16xi32>, vector<16xi32>], vector<16xf32>,
          %swap3A_194 = arith.constant 2 : i32
          %swap3A_195 = arith.index_cast %swap3A_194 : i32 to index
          %swap3A_196 = arith.constant 16 : index
          %swap3A_197 = tpu.vector_load %arg9[%swap3A_195, %swap3A_196] {strides = array<i32>} : memref<16x128xf32, #tpu.memory_space<vmem>>, vector<16xf32>,
          tpu.vector_store %arg9[%swap3A_195, %swap3A_196], %gather3A_193 {strides = array<i32>} : memref<16x128xf32, #tpu.memory_space<vmem>>, vector<16xf32>,
          %add3A_198 = arith.constant 32 : i32
          %add3A_199 = vector.broadcast %add3A_198 : i32 to vector<16xi32>
          %add3A_200 = arith.addi %iota3A, %add3A_199 : vector<16xi32>
          %gather3A_201 = tpu.vector_load_idx %arg8[%add3A_200, %broadcast_in_dim3A_181] : memref<64x512xf32, #tpu.memory_space<vmem>>[vector<16xi32>, vector<16xi32>], vector<16xf32>,
          %swap3A_202 = arith.constant 2 : i32
          %swap3A_203 = arith.index_cast %swap3A_202 : i32 to index
          %swap3A_204 = arith.constant 32 : index
          %swap3A_205 = tpu.vector_load %arg9[%swap3A_203, %swap3A_204] {strides = array<i32>} : memref<16x128xf32, #tpu.memory_space<vmem>>, vector<16xf32>,
          tpu.vector_store %arg9[%swap3A_203, %swap3A_204], %gather3A_201 {strides = array<i32>} : memref<16x128xf32, #tpu.memory_space<vmem>>, vector<16xf32>,
          %add3A_206 = arith.constant 48 : i32
          %add3A_207 = vector.broadcast %add3A_206 : i32 to vector<16xi32>
          %add3A_208 = arith.addi %iota3A, %add3A_207 : vector<16xi32>
          %gather3A_209 = tpu.vector_load_idx %arg8[%add3A_208, %broadcast_in_dim3A_181] : memref<64x512xf32, #tpu.memory_space<vmem>>[vector<16xi32>, vector<16xi32>], vector<16xf32>,
          %swap3A_210 = arith.constant 2 : i32
          %swap3A_211 = arith.index_cast %swap3A_210 : i32 to index
          %swap3A_212 = arith.constant 48 : index
          %swap3A_213 = tpu.vector_load %arg9[%swap3A_211, %swap3A_212] {strides = array<i32>} : memref<16x128xf32, #tpu.memory_space<vmem>>, vector<16xf32>,
          tpu.vector_store %arg9[%swap3A_211, %swap3A_212], %gather3A_209 {strides = array<i32>} : memref<16x128xf32, #tpu.memory_space<vmem>>, vector<16xf32>,
          %slice3A_214 = vector.extract_strided_slice %sub3A_108 {offsets = [3], sizes = [1], strides = [1]} : vector<16xi32> to vector<1xi32>
          %squeeze3A_215 = vector.extract %slice3A_214[0] : i32 from vector<1xi32>
          %broadcast_in_dim3A_216 = vector.broadcast %squeeze3A_215 : i32 to vector<16xi32>
          %add3A_217 = arith.constant 0 : i32
          %add3A_218 = vector.broadcast %add3A_217 : i32 to vector<16xi32>
          %add3A_219 = arith.addi %iota3A, %add3A_218 : vector<16xi32>
          %gather3A_220 = tpu.vector_load_idx %arg8[%add3A_219, %broadcast_in_dim3A_216] : memref<64x512xf32, #tpu.memory_space<vmem>>[vector<16xi32>, vector<16xi32>], vector<16xf32>,
          %swap3A_221 = arith.constant 3 : i32
          %swap3A_222 = arith.index_cast %swap3A_221 : i32 to index
          %swap3A_223 = arith.constant 0 : index
          %swap3A_224 = tpu.vector_load %arg9[%swap3A_222, %swap3A_223] {strides = array<i32>} : memref<16x128xf32, #tpu.memory_space<vmem>>, vector<16xf32>,
          tpu.vector_store %arg9[%swap3A_222, %swap3A_223], %gather3A_220 {strides = array<i32>} : memref<16x128xf32, #tpu.memory_space<vmem>>, vector<16xf32>,
          %add3A_225 = arith.constant 16 : i32
          %add3A_226 = vector.broadcast %add3A_225 : i32 to vector<16xi32>
          %add3A_227 = arith.addi %iota3A, %add3A_226 : vector<16xi32>
          %gather3A_228 = tpu.vector_load_idx %arg8[%add3A_227, %broadcast_in_dim3A_216] : memref<64x512xf32, #tpu.memory_space<vmem>>[vector<16xi32>, vector<16xi32>], vector<16xf32>,
          %swap3A_229 = arith.constant 3 : i32
          %swap3A_230 = arith.index_cast %swap3A_229 : i32 to index
          %swap3A_231 = arith.constant 16 : index
          %swap3A_232 = tpu.vector_load %arg9[%swap3A_230, %swap3A_231] {strides = array<i32>} : memref<16x128xf32, #tpu.memory_space<vmem>>, vector<16xf32>,
          tpu.vector_store %arg9[%swap3A_230, %swap3A_231], %gather3A_228 {strides = array<i32>} : memref<16x128xf32, #tpu.memory_space<vmem>>, vector<16xf32>,
          %add3A_233 = arith.constant 32 : i32
          %add3A_234 = vector.broadcast %add3A_233 : i32 to vector<16xi32>
          %add3A_235 = arith.addi %iota3A, %add3A_234 : vector<16xi32>
          %gather3A_236 = tpu.vector_load_idx %arg8[%add3A_235, %broadcast_in_dim3A_216] : memref<64x512xf32, #tpu.memory_space<vmem>>[vector<16xi32>, vector<16xi32>], vector<16xf32>,
          %swap3A_237 = arith.constant 3 : i32
          %swap3A_238 = arith.index_cast %swap3A_237 : i32 to index
          %swap3A_239 = arith.constant 32 : index
          %swap3A_240 = tpu.vector_load %arg9[%swap3A_238, %swap3A_239] {strides = array<i32>} : memref<16x128xf32, #tpu.memory_space<vmem>>, vector<16xf32>,
          tpu.vector_store %arg9[%swap3A_238, %swap3A_239], %gather3A_236 {strides = array<i32>} : memref<16x128xf32, #tpu.memory_space<vmem>>, vector<16xf32>,
          %add3A_241 = arith.constant 48 : i32
          %add3A_242 = vector.broadcast %add3A_241 : i32 to vector<16xi32>
          %add3A_243 = arith.addi %iota3A, %add3A_242 : vector<16xi32>
          %gather3A_244 = tpu.vector_load_idx %arg8[%add3A_243, %broadcast_in_dim3A_216] : memref<64x512xf32, #tpu.memory_space<vmem>>[vector<16xi32>, vector<16xi32>], vector<16xf32>,
          %swap3A_245 = arith.constant 3 : i32
          %swap3A_246 = arith.index_cast %swap3A_245 : i32 to index
          %swap3A_247 = arith.constant 48 : index
          %swap3A_248 = tpu.vector_load %arg9[%swap3A_246, %swap3A_247] {strides = array<i32>} : memref<16x128xf32, #tpu.memory_space<vmem>>, vector<16xf32>,
          tpu.vector_store %arg9[%swap3A_246, %swap3A_247], %gather3A_244 {strides = array<i32>} : memref<16x128xf32, #tpu.memory_space<vmem>>, vector<16xf32>,
          %slice3A_249 = vector.extract_strided_slice %sub3A_108 {offsets = [4], sizes = [1], strides = [1]} : vector<16xi32> to vector<1xi32>
          %squeeze3A_250 = vector.extract %slice3A_249[0] : i32 from vector<1xi32>
          %broadcast_in_dim3A_251 = vector.broadcast %squeeze3A_250 : i32 to vector<16xi32>
          %add3A_252 = arith.constant 0 : i32
          %add3A_253 = vector.broadcast %add3A_252 : i32 to vector<16xi32>
          %add3A_254 = arith.addi %iota3A, %add3A_253 : vector<16xi32>
          %gather3A_255 = tpu.vector_load_idx %arg8[%add3A_254, %broadcast_in_dim3A_251] : memref<64x512xf32, #tpu.memory_space<vmem>>[vector<16xi32>, vector<16xi32>], vector<16xf32>,
          %swap3A_256 = arith.constant 4 : i32
          %swap3A_257 = arith.index_cast %swap3A_256 : i32 to index
          %swap3A_258 = arith.constant 0 : index
          %swap3A_259 = tpu.vector_load %arg9[%swap3A_257, %swap3A_258] {strides = array<i32>} : memref<16x128xf32, #tpu.memory_space<vmem>>, vector<16xf32>,
          tpu.vector_store %arg9[%swap3A_257, %swap3A_258], %gather3A_255 {strides = array<i32>} : memref<16x128xf32, #tpu.memory_space<vmem>>, vector<16xf32>,
          %add3A_260 = arith.constant 16 : i32
          %add3A_261 = vector.broadcast %add3A_260 : i32 to vector<16xi32>
          %add3A_262 = arith.addi %iota3A, %add3A_261 : vector<16xi32>
          %gather3A_263 = tpu.vector_load_idx %arg8[%add3A_262, %broadcast_in_dim3A_251] : memref<64x512xf32, #tpu.memory_space<vmem>>[vector<16xi32>, vector<16xi32>], vector<16xf32>,
          %swap3A_264 = arith.constant 4 : i32
          %swap3A_265 = arith.index_cast %swap3A_264 : i32 to index
          %swap3A_266 = arith.constant 16 : index
          %swap3A_267 = tpu.vector_load %arg9[%swap3A_265, %swap3A_266] {strides = array<i32>} : memref<16x128xf32, #tpu.memory_space<vmem>>, vector<16xf32>,
          tpu.vector_store %arg9[%swap3A_265, %swap3A_266], %gather3A_263 {strides = array<i32>} : memref<16x128xf32, #tpu.memory_space<vmem>>, vector<16xf32>,
          %add3A_268 = arith.constant 32 : i32
          %add3A_269 = vector.broadcast %add3A_268 : i32 to vector<16xi32>
          %add3A_270 = arith.addi %iota3A, %add3A_269 : vector<16xi32>
          %gather3A_271 = tpu.vector_load_idx %arg8[%add3A_270, %broadcast_in_dim3A_251] : memref<64x512xf32, #tpu.memory_space<vmem>>[vector<16xi32>, vector<16xi32>], vector<16xf32>,
          %swap3A_272 = arith.constant 4 : i32
          %swap3A_273 = arith.index_cast %swap3A_272 : i32 to index
          %swap3A_274 = arith.constant 32 : index
          %swap3A_275 = tpu.vector_load %arg9[%swap3A_273, %swap3A_274] {strides = array<i32>} : memref<16x128xf32, #tpu.memory_space<vmem>>, vector<16xf32>,
          tpu.vector_store %arg9[%swap3A_273, %swap3A_274], %gather3A_271 {strides = array<i32>} : memref<16x128xf32, #tpu.memory_space<vmem>>, vector<16xf32>,
          %add3A_276 = arith.constant 48 : i32
          %add3A_277 = vector.broadcast %add3A_276 : i32 to vector<16xi32>
          %add3A_278 = arith.addi %iota3A, %add3A_277 : vector<16xi32>
          %gather3A_279 = tpu.vector_load_idx %arg8[%add3A_278, %broadcast_in_dim3A_251] : memref<64x512xf32, #tpu.memory_space<vmem>>[vector<16xi32>, vector<16xi32>], vector<16xf32>,
          %swap3A_280 = arith.constant 4 : i32
          %swap3A_281 = arith.index_cast %swap3A_280 : i32 to index
          %swap3A_282 = arith.constant 48 : index
          %swap3A_283 = tpu.vector_load %arg9[%swap3A_281, %swap3A_282] {strides = array<i32>} : memref<16x128xf32, #tpu.memory_space<vmem>>, vector<16xf32>,
          tpu.vector_store %arg9[%swap3A_281, %swap3A_282], %gather3A_279 {strides = array<i32>} : memref<16x128xf32, #tpu.memory_space<vmem>>, vector<16xf32>,
          %slice3A_284 = vector.extract_strided_slice %sub3A_108 {offsets = [5], sizes = [1], strides = [1]} : vector<16xi32> to vector<1xi32>
          %squeeze3A_285 = vector.extract %slice3A_284[0] : i32 from vector<1xi32>
          %broadcast_in_dim3A_286 = vector.broadcast %squeeze3A_285 : i32 to vector<16xi32>
          %add3A_287 = arith.constant 0 : i32
          %add3A_288 = vector.broadcast %add3A_287 : i32 to vector<16xi32>
          %add3A_289 = arith.addi %iota3A, %add3A_288 : vector<16xi32>
          %gather3A_290 = tpu.vector_load_idx %arg8[%add3A_289, %broadcast_in_dim3A_286] : memref<64x512xf32, #tpu.memory_space<vmem>>[vector<16xi32>, vector<16xi32>], vector<16xf32>,
          %swap3A_291 = arith.constant 5 : i32
          %swap3A_292 = arith.index_cast %swap3A_291 : i32 to index
          %swap3A_293 = arith.constant 0 : index
          %swap3A_294 = tpu.vector_load %arg9[%swap3A_292, %swap3A_293] {strides = array<i32>} : memref<16x128xf32, #tpu.memory_space<vmem>>, vector<16xf32>,
          tpu.vector_store %arg9[%swap3A_292, %swap3A_293], %gather3A_290 {strides = array<i32>} : memref<16x128xf32, #tpu.memory_space<vmem>>, vector<16xf32>,
          %add3A_295 = arith.constant 16 : i32
          %add3A_296 = vector.broadcast %add3A_295 : i32 to vector<16xi32>
          %add3A_297 = arith.addi %iota3A, %add3A_296 : vector<16xi32>
          %gather3A_298 = tpu.vector_load_idx %arg8[%add3A_297, %broadcast_in_dim3A_286] : memref<64x512xf32, #tpu.memory_space<vmem>>[vector<16xi32>, vector<16xi32>], vector<16xf32>,
          %swap3A_299 = arith.constant 5 : i32
          %swap3A_300 = arith.index_cast %swap3A_299 : i32 to index
          %swap3A_301 = arith.constant 16 : index
          %swap3A_302 = tpu.vector_load %arg9[%swap3A_300, %swap3A_301] {strides = array<i32>} : memref<16x128xf32, #tpu.memory_space<vmem>>, vector<16xf32>,
          tpu.vector_store %arg9[%swap3A_300, %swap3A_301], %gather3A_298 {strides = array<i32>} : memref<16x128xf32, #tpu.memory_space<vmem>>, vector<16xf32>,
          %add3A_303 = arith.constant 32 : i32
          %add3A_304 = vector.broadcast %add3A_303 : i32 to vector<16xi32>
          %add3A_305 = arith.addi %iota3A, %add3A_304 : vector<16xi32>
          %gather3A_306 = tpu.vector_load_idx %arg8[%add3A_305, %broadcast_in_dim3A_286] : memref<64x512xf32, #tpu.memory_space<vmem>>[vector<16xi32>, vector<16xi32>], vector<16xf32>,
          %swap3A_307 = arith.constant 5 : i32
          %swap3A_308 = arith.index_cast %swap3A_307 : i32 to index
          %swap3A_309 = arith.constant 32 : index
          %swap3A_310 = tpu.vector_load %arg9[%swap3A_308, %swap3A_309] {strides = array<i32>} : memref<16x128xf32, #tpu.memory_space<vmem>>, vector<16xf32>,
          tpu.vector_store %arg9[%swap3A_308, %swap3A_309], %gather3A_306 {strides = array<i32>} : memref<16x128xf32, #tpu.memory_space<vmem>>, vector<16xf32>,
          %add3A_311 = arith.constant 48 : i32
          %add3A_312 = vector.broadcast %add3A_311 : i32 to vector<16xi32>
          %add3A_313 = arith.addi %iota3A, %add3A_312 : vector<16xi32>
          %gather3A_314 = tpu.vector_load_idx %arg8[%add3A_313, %broadcast_in_dim3A_286] : memref<64x512xf32, #tpu.memory_space<vmem>>[vector<16xi32>, vector<16xi32>], vector<16xf32>,
          %swap3A_315 = arith.constant 5 : i32
          %swap3A_316 = arith.index_cast %swap3A_315 : i32 to index
          %swap3A_317 = arith.constant 48 : index
          %swap3A_318 = tpu.vector_load %arg9[%swap3A_316, %swap3A_317] {strides = array<i32>} : memref<16x128xf32, #tpu.memory_space<vmem>>, vector<16xf32>,
          tpu.vector_store %arg9[%swap3A_316, %swap3A_317], %gather3A_314 {strides = array<i32>} : memref<16x128xf32, #tpu.memory_space<vmem>>, vector<16xf32>,
          %slice3A_319 = vector.extract_strided_slice %sub3A_108 {offsets = [6], sizes = [1], strides = [1]} : vector<16xi32> to vector<1xi32>
          %squeeze3A_320 = vector.extract %slice3A_319[0] : i32 from vector<1xi32>
          %broadcast_in_dim3A_321 = vector.broadcast %squeeze3A_320 : i32 to vector<16xi32>
          %add3A_322 = arith.constant 0 : i32
          %add3A_323 = vector.broadcast %add3A_322 : i32 to vector<16xi32>
          %add3A_324 = arith.addi %iota3A, %add3A_323 : vector<16xi32>
          %gather3A_325 = tpu.vector_load_idx %arg8[%add3A_324, %broadcast_in_dim3A_321] : memref<64x512xf32, #tpu.memory_space<vmem>>[vector<16xi32>, vector<16xi32>], vector<16xf32>,
          %swap3A_326 = arith.constant 6 : i32
          %swap3A_327 = arith.index_cast %swap3A_326 : i32 to index
          %swap3A_328 = arith.constant 0 : index
          %swap3A_329 = tpu.vector_load %arg9[%swap3A_327, %swap3A_328] {strides = array<i32>} : memref<16x128xf32, #tpu.memory_space<vmem>>, vector<16xf32>,
          tpu.vector_store %arg9[%swap3A_327, %swap3A_328], %gather3A_325 {strides = array<i32>} : memref<16x128xf32, #tpu.memory_space<vmem>>, vector<16xf32>,
          %add3A_330 = arith.constant 16 : i32
          %add3A_331 = vector.broadcast %add3A_330 : i32 to vector<16xi32>
          %add3A_332 = arith.addi %iota3A, %add3A_331 : vector<16xi32>
          %gather3A_333 = tpu.vector_load_idx %arg8[%add3A_332, %broadcast_in_dim3A_321] : memref<64x512xf32, #tpu.memory_space<vmem>>[vector<16xi32>, vector<16xi32>], vector<16xf32>,
          %swap3A_334 = arith.constant 6 : i32
          %swap3A_335 = arith.index_cast %swap3A_334 : i32 to index
          %swap3A_336 = arith.constant 16 : index
          %swap3A_337 = tpu.vector_load %arg9[%swap3A_335, %swap3A_336] {strides = array<i32>} : memref<16x128xf32, #tpu.memory_space<vmem>>, vector<16xf32>,
          tpu.vector_store %arg9[%swap3A_335, %swap3A_336], %gather3A_333 {strides = array<i32>} : memref<16x128xf32, #tpu.memory_space<vmem>>, vector<16xf32>,
          %add3A_338 = arith.constant 32 : i32
          %add3A_339 = vector.broadcast %add3A_338 : i32 to vector<16xi32>
          %add3A_340 = arith.addi %iota3A, %add3A_339 : vector<16xi32>
          %gather3A_341 = tpu.vector_load_idx %arg8[%add3A_340, %broadcast_in_dim3A_321] : memref<64x512xf32, #tpu.memory_space<vmem>>[vector<16xi32>, vector<16xi32>], vector<16xf32>,
          %swap3A_342 = arith.constant 6 : i32
          %swap3A_343 = arith.index_cast %swap3A_342 : i32 to index
          %swap3A_344 = arith.constant 32 : index
          %swap3A_345 = tpu.vector_load %arg9[%swap3A_343, %swap3A_344] {strides = array<i32>} : memref<16x128xf32, #tpu.memory_space<vmem>>, vector<16xf32>,
          tpu.vector_store %arg9[%swap3A_343, %swap3A_344], %gather3A_341 {strides = array<i32>} : memref<16x128xf32, #tpu.memory_space<vmem>>, vector<16xf32>,
          %add3A_346 = arith.constant 48 : i32
          %add3A_347 = vector.broadcast %add3A_346 : i32 to vector<16xi32>
          %add3A_348 = arith.addi %iota3A, %add3A_347 : vector<16xi32>
          %gather3A_349 = tpu.vector_load_idx %arg8[%add3A_348, %broadcast_in_dim3A_321] : memref<64x512xf32, #tpu.memory_space<vmem>>[vector<16xi32>, vector<16xi32>], vector<16xf32>,
          %swap3A_350 = arith.constant 6 : i32
          %swap3A_351 = arith.index_cast %swap3A_350 : i32 to index
          %swap3A_352 = arith.constant 48 : index
          %swap3A_353 = tpu.vector_load %arg9[%swap3A_351, %swap3A_352] {strides = array<i32>} : memref<16x128xf32, #tpu.memory_space<vmem>>, vector<16xf32>,
          tpu.vector_store %arg9[%swap3A_351, %swap3A_352], %gather3A_349 {strides = array<i32>} : memref<16x128xf32, #tpu.memory_space<vmem>>, vector<16xf32>,
          %slice3A_354 = vector.extract_strided_slice %sub3A_108 {offsets = [7], sizes = [1], strides = [1]} : vector<16xi32> to vector<1xi32>
          %squeeze3A_355 = vector.extract %slice3A_354[0] : i32 from vector<1xi32>
          %broadcast_in_dim3A_356 = vector.broadcast %squeeze3A_355 : i32 to vector<16xi32>
          %add3A_357 = arith.constant 0 : i32
          %add3A_358 = vector.broadcast %add3A_357 : i32 to vector<16xi32>
          %add3A_359 = arith.addi %iota3A, %add3A_358 : vector<16xi32>
          %gather3A_360 = tpu.vector_load_idx %arg8[%add3A_359, %broadcast_in_dim3A_356] : memref<64x512xf32, #tpu.memory_space<vmem>>[vector<16xi32>, vector<16xi32>], vector<16xf32>,
          %swap3A_361 = arith.constant 7 : i32
          %swap3A_362 = arith.index_cast %swap3A_361 : i32 to index
          %swap3A_363 = arith.constant 0 : index
          %swap3A_364 = tpu.vector_load %arg9[%swap3A_362, %swap3A_363] {strides = array<i32>} : memref<16x128xf32, #tpu.memory_space<vmem>>, vector<16xf32>,
          tpu.vector_store %arg9[%swap3A_362, %swap3A_363], %gather3A_360 {strides = array<i32>} : memref<16x128xf32, #tpu.memory_space<vmem>>, vector<16xf32>,
          %add3A_365 = arith.constant 16 : i32
          %add3A_366 = vector.broadcast %add3A_365 : i32 to vector<16xi32>
          %add3A_367 = arith.addi %iota3A, %add3A_366 : vector<16xi32>
          %gather3A_368 = tpu.vector_load_idx %arg8[%add3A_367, %broadcast_in_dim3A_356] : memref<64x512xf32, #tpu.memory_space<vmem>>[vector<16xi32>, vector<16xi32>], vector<16xf32>,
          %swap3A_369 = arith.constant 7 : i32
          %swap3A_370 = arith.index_cast %swap3A_369 : i32 to index
          %swap3A_371 = arith.constant 16 : index
          %swap3A_372 = tpu.vector_load %arg9[%swap3A_370, %swap3A_371] {strides = array<i32>} : memref<16x128xf32, #tpu.memory_space<vmem>>, vector<16xf32>,
          tpu.vector_store %arg9[%swap3A_370, %swap3A_371], %gather3A_368 {strides = array<i32>} : memref<16x128xf32, #tpu.memory_space<vmem>>, vector<16xf32>,
          %add3A_373 = arith.constant 32 : i32
          %add3A_374 = vector.broadcast %add3A_373 : i32 to vector<16xi32>
          %add3A_375 = arith.addi %iota3A, %add3A_374 : vector<16xi32>
          %gather3A_376 = tpu.vector_load_idx %arg8[%add3A_375, %broadcast_in_dim3A_356] : memref<64x512xf32, #tpu.memory_space<vmem>>[vector<16xi32>, vector<16xi32>], vector<16xf32>,
          %swap3A_377 = arith.constant 7 : i32
          %swap3A_378 = arith.index_cast %swap3A_377 : i32 to index
          %swap3A_379 = arith.constant 32 : index
          %swap3A_380 = tpu.vector_load %arg9[%swap3A_378, %swap3A_379] {strides = array<i32>} : memref<16x128xf32, #tpu.memory_space<vmem>>, vector<16xf32>,
          tpu.vector_store %arg9[%swap3A_378, %swap3A_379], %gather3A_376 {strides = array<i32>} : memref<16x128xf32, #tpu.memory_space<vmem>>, vector<16xf32>,
          %add3A_381 = arith.constant 48 : i32
          %add3A_382 = vector.broadcast %add3A_381 : i32 to vector<16xi32>
          %add3A_383 = arith.addi %iota3A, %add3A_382 : vector<16xi32>
          %gather3A_384 = tpu.vector_load_idx %arg8[%add3A_383, %broadcast_in_dim3A_356] : memref<64x512xf32, #tpu.memory_space<vmem>>[vector<16xi32>, vector<16xi32>], vector<16xf32>,
          %swap3A_385 = arith.constant 7 : i32
          %swap3A_386 = arith.index_cast %swap3A_385 : i32 to index
          %swap3A_387 = arith.constant 48 : index
          %swap3A_388 = tpu.vector_load %arg9[%swap3A_386, %swap3A_387] {strides = array<i32>} : memref<16x128xf32, #tpu.memory_space<vmem>>, vector<16xf32>,
          tpu.vector_store %arg9[%swap3A_386, %swap3A_387], %gather3A_384 {strides = array<i32>} : memref<16x128xf32, #tpu.memory_space<vmem>>, vector<16xf32>,
          %slice3A_389 = vector.extract_strided_slice %sub3A_108 {offsets = [8], sizes = [1], strides = [1]} : vector<16xi32> to vector<1xi32>
          %squeeze3A_390 = vector.extract %slice3A_389[0] : i32 from vector<1xi32>
          %broadcast_in_dim3A_391 = vector.broadcast %squeeze3A_390 : i32 to vector<16xi32>
          %add3A_392 = arith.constant 0 : i32
          %add3A_393 = vector.broadcast %add3A_392 : i32 to vector<16xi32>
          %add3A_394 = arith.addi %iota3A, %add3A_393 : vector<16xi32>
          %gather3A_395 = tpu.vector_load_idx %arg8[%add3A_394, %broadcast_in_dim3A_391] : memref<64x512xf32, #tpu.memory_space<vmem>>[vector<16xi32>, vector<16xi32>], vector<16xf32>,
          %swap3A_396 = arith.constant 8 : i32
          %swap3A_397 = arith.index_cast %swap3A_396 : i32 to index
          %swap3A_398 = arith.constant 0 : index
          %swap3A_399 = tpu.vector_load %arg9[%swap3A_397, %swap3A_398] {strides = array<i32>} : memref<16x128xf32, #tpu.memory_space<vmem>>, vector<16xf32>,
          tpu.vector_store %arg9[%swap3A_397, %swap3A_398], %gather3A_395 {strides = array<i32>} : memref<16x128xf32, #tpu.memory_space<vmem>>, vector<16xf32>,
          %add3A_400 = arith.constant 16 : i32
          %add3A_401 = vector.broadcast %add3A_400 : i32 to vector<16xi32>
          %add3A_402 = arith.addi %iota3A, %add3A_401 : vector<16xi32>
          %gather3A_403 = tpu.vector_load_idx %arg8[%add3A_402, %broadcast_in_dim3A_391] : memref<64x512xf32, #tpu.memory_space<vmem>>[vector<16xi32>, vector<16xi32>], vector<16xf32>,
          %swap3A_404 = arith.constant 8 : i32
          %swap3A_405 = arith.index_cast %swap3A_404 : i32 to index
          %swap3A_406 = arith.constant 16 : index
          %swap3A_407 = tpu.vector_load %arg9[%swap3A_405, %swap3A_406] {strides = array<i32>} : memref<16x128xf32, #tpu.memory_space<vmem>>, vector<16xf32>,
          tpu.vector_store %arg9[%swap3A_405, %swap3A_406], %gather3A_403 {strides = array<i32>} : memref<16x128xf32, #tpu.memory_space<vmem>>, vector<16xf32>,
          %add3A_408 = arith.constant 32 : i32
          %add3A_409 = vector.broadcast %add3A_408 : i32 to vector<16xi32>
          %add3A_410 = arith.addi %iota3A, %add3A_409 : vector<16xi32>
          %gather3A_411 = tpu.vector_load_idx %arg8[%add3A_410, %broadcast_in_dim3A_391] : memref<64x512xf32, #tpu.memory_space<vmem>>[vector<16xi32>, vector<16xi32>], vector<16xf32>,
          %swap3A_412 = arith.constant 8 : i32
          %swap3A_413 = arith.index_cast %swap3A_412 : i32 to index
          %swap3A_414 = arith.constant 32 : index
          %swap3A_415 = tpu.vector_load %arg9[%swap3A_413, %swap3A_414] {strides = array<i32>} : memref<16x128xf32, #tpu.memory_space<vmem>>, vector<16xf32>,
          tpu.vector_store %arg9[%swap3A_413, %swap3A_414], %gather3A_411 {strides = array<i32>} : memref<16x128xf32, #tpu.memory_space<vmem>>, vector<16xf32>,
          %add3A_416 = arith.constant 48 : i32
          %add3A_417 = vector.broadcast %add3A_416 : i32 to vector<16xi32>
          %add3A_418 = arith.addi %iota3A, %add3A_417 : vector<16xi32>
          %gather3A_419 = tpu.vector_load_idx %arg8[%add3A_418, %broadcast_in_dim3A_391] : memref<64x512xf32, #tpu.memory_space<vmem>>[vector<16xi32>, vector<16xi32>], vector<16xf32>,
          %swap3A_420 = arith.constant 8 : i32
          %swap3A_421 = arith.index_cast %swap3A_420 : i32 to index
          %swap3A_422 = arith.constant 48 : index
          %swap3A_423 = tpu.vector_load %arg9[%swap3A_421, %swap3A_422] {strides = array<i32>} : memref<16x128xf32, #tpu.memory_space<vmem>>, vector<16xf32>,
          tpu.vector_store %arg9[%swap3A_421, %swap3A_422], %gather3A_419 {strides = array<i32>} : memref<16x128xf32, #tpu.memory_space<vmem>>, vector<16xf32>,
          %slice3A_424 = vector.extract_strided_slice %sub3A_108 {offsets = [9], sizes = [1], strides = [1]} : vector<16xi32> to vector<1xi32>
          %squeeze3A_425 = vector.extract %slice3A_424[0] : i32 from vector<1xi32>
          %broadcast_in_dim3A_426 = vector.broadcast %squeeze3A_425 : i32 to vector<16xi32>
          %add3A_427 = arith.constant 0 : i32
          %add3A_428 = vector.broadcast %add3A_427 : i32 to vector<16xi32>
          %add3A_429 = arith.addi %iota3A, %add3A_428 : vector<16xi32>
          %gather3A_430 = tpu.vector_load_idx %arg8[%add3A_429, %broadcast_in_dim3A_426] : memref<64x512xf32, #tpu.memory_space<vmem>>[vector<16xi32>, vector<16xi32>], vector<16xf32>,
          %swap3A_431 = arith.constant 9 : i32
          %swap3A_432 = arith.index_cast %swap3A_431 : i32 to index
          %swap3A_433 = arith.constant 0 : index
          %swap3A_434 = tpu.vector_load %arg9[%swap3A_432, %swap3A_433] {strides = array<i32>} : memref<16x128xf32, #tpu.memory_space<vmem>>, vector<16xf32>,
          tpu.vector_store %arg9[%swap3A_432, %swap3A_433], %gather3A_430 {strides = array<i32>} : memref<16x128xf32, #tpu.memory_space<vmem>>, vector<16xf32>,
          %add3A_435 = arith.constant 16 : i32
          %add3A_436 = vector.broadcast %add3A_435 : i32 to vector<16xi32>
          %add3A_437 = arith.addi %iota3A, %add3A_436 : vector<16xi32>
          %gather3A_438 = tpu.vector_load_idx %arg8[%add3A_437, %broadcast_in_dim3A_426] : memref<64x512xf32, #tpu.memory_space<vmem>>[vector<16xi32>, vector<16xi32>], vector<16xf32>,
          %swap3A_439 = arith.constant 9 : i32
          %swap3A_440 = arith.index_cast %swap3A_439 : i32 to index
          %swap3A_441 = arith.constant 16 : index
          %swap3A_442 = tpu.vector_load %arg9[%swap3A_440, %swap3A_441] {strides = array<i32>} : memref<16x128xf32, #tpu.memory_space<vmem>>, vector<16xf32>,
          tpu.vector_store %arg9[%swap3A_440, %swap3A_441], %gather3A_438 {strides = array<i32>} : memref<16x128xf32, #tpu.memory_space<vmem>>, vector<16xf32>,
          %add3A_443 = arith.constant 32 : i32
          %add3A_444 = vector.broadcast %add3A_443 : i32 to vector<16xi32>
          %add3A_445 = arith.addi %iota3A, %add3A_444 : vector<16xi32>
          %gather3A_446 = tpu.vector_load_idx %arg8[%add3A_445, %broadcast_in_dim3A_426] : memref<64x512xf32, #tpu.memory_space<vmem>>[vector<16xi32>, vector<16xi32>], vector<16xf32>,
          %swap3A_447 = arith.constant 9 : i32
          %swap3A_448 = arith.index_cast %swap3A_447 : i32 to index
          %swap3A_449 = arith.constant 32 : index
          %swap3A_450 = tpu.vector_load %arg9[%swap3A_448, %swap3A_449] {strides = array<i32>} : memref<16x128xf32, #tpu.memory_space<vmem>>, vector<16xf32>,
          tpu.vector_store %arg9[%swap3A_448, %swap3A_449], %gather3A_446 {strides = array<i32>} : memref<16x128xf32, #tpu.memory_space<vmem>>, vector<16xf32>,
          %add3A_451 = arith.constant 48 : i32
          %add3A_452 = vector.broadcast %add3A_451 : i32 to vector<16xi32>
          %add3A_453 = arith.addi %iota3A, %add3A_452 : vector<16xi32>
          %gather3A_454 = tpu.vector_load_idx %arg8[%add3A_453, %broadcast_in_dim3A_426] : memref<64x512xf32, #tpu.memory_space<vmem>>[vector<16xi32>, vector<16xi32>], vector<16xf32>,
          %swap3A_455 = arith.constant 9 : i32
          %swap3A_456 = arith.index_cast %swap3A_455 : i32 to index
          %swap3A_457 = arith.constant 48 : index
          %swap3A_458 = tpu.vector_load %arg9[%swap3A_456, %swap3A_457] {strides = array<i32>} : memref<16x128xf32, #tpu.memory_space<vmem>>, vector<16xf32>,
          tpu.vector_store %arg9[%swap3A_456, %swap3A_457], %gather3A_454 {strides = array<i32>} : memref<16x128xf32, #tpu.memory_space<vmem>>, vector<16xf32>,
          %slice3A_459 = vector.extract_strided_slice %sub3A_108 {offsets = [10], sizes = [1], strides = [1]} : vector<16xi32> to vector<1xi32>
          %squeeze3A_460 = vector.extract %slice3A_459[0] : i32 from vector<1xi32>
          %broadcast_in_dim3A_461 = vector.broadcast %squeeze3A_460 : i32 to vector<16xi32>
          %add3A_462 = arith.constant 0 : i32
          %add3A_463 = vector.broadcast %add3A_462 : i32 to vector<16xi32>
          %add3A_464 = arith.addi %iota3A, %add3A_463 : vector<16xi32>
          %gather3A_465 = tpu.vector_load_idx %arg8[%add3A_464, %broadcast_in_dim3A_461] : memref<64x512xf32, #tpu.memory_space<vmem>>[vector<16xi32>, vector<16xi32>], vector<16xf32>,
          %swap3A_466 = arith.constant 10 : i32
          %swap3A_467 = arith.index_cast %swap3A_466 : i32 to index
          %swap3A_468 = arith.constant 0 : index
          %swap3A_469 = tpu.vector_load %arg9[%swap3A_467, %swap3A_468] {strides = array<i32>} : memref<16x128xf32, #tpu.memory_space<vmem>>, vector<16xf32>,
          tpu.vector_store %arg9[%swap3A_467, %swap3A_468], %gather3A_465 {strides = array<i32>} : memref<16x128xf32, #tpu.memory_space<vmem>>, vector<16xf32>,
          %add3A_470 = arith.constant 16 : i32
          %add3A_471 = vector.broadcast %add3A_470 : i32 to vector<16xi32>
          %add3A_472 = arith.addi %iota3A, %add3A_471 : vector<16xi32>
          %gather3A_473 = tpu.vector_load_idx %arg8[%add3A_472, %broadcast_in_dim3A_461] : memref<64x512xf32, #tpu.memory_space<vmem>>[vector<16xi32>, vector<16xi32>], vector<16xf32>,
          %swap3A_474 = arith.constant 10 : i32
          %swap3A_475 = arith.index_cast %swap3A_474 : i32 to index
          %swap3A_476 = arith.constant 16 : index
          %swap3A_477 = tpu.vector_load %arg9[%swap3A_475, %swap3A_476] {strides = array<i32>} : memref<16x128xf32, #tpu.memory_space<vmem>>, vector<16xf32>,
          tpu.vector_store %arg9[%swap3A_475, %swap3A_476], %gather3A_473 {strides = array<i32>} : memref<16x128xf32, #tpu.memory_space<vmem>>, vector<16xf32>,
          %add3A_478 = arith.constant 32 : i32
          %add3A_479 = vector.broadcast %add3A_478 : i32 to vector<16xi32>
          %add3A_480 = arith.addi %iota3A, %add3A_479 : vector<16xi32>
          %gather3A_481 = tpu.vector_load_idx %arg8[%add3A_480, %broadcast_in_dim3A_461] : memref<64x512xf32, #tpu.memory_space<vmem>>[vector<16xi32>, vector<16xi32>], vector<16xf32>,
          %swap3A_482 = arith.constant 10 : i32
          %swap3A_483 = arith.index_cast %swap3A_482 : i32 to index
          %swap3A_484 = arith.constant 32 : index
          %swap3A_485 = tpu.vector_load %arg9[%swap3A_483, %swap3A_484] {strides = array<i32>} : memref<16x128xf32, #tpu.memory_space<vmem>>, vector<16xf32>,
          tpu.vector_store %arg9[%swap3A_483, %swap3A_484], %gather3A_481 {strides = array<i32>} : memref<16x128xf32, #tpu.memory_space<vmem>>, vector<16xf32>,
          %add3A_486 = arith.constant 48 : i32
          %add3A_487 = vector.broadcast %add3A_486 : i32 to vector<16xi32>
          %add3A_488 = arith.addi %iota3A, %add3A_487 : vector<16xi32>
          %gather3A_489 = tpu.vector_load_idx %arg8[%add3A_488, %broadcast_in_dim3A_461] : memref<64x512xf32, #tpu.memory_space<vmem>>[vector<16xi32>, vector<16xi32>], vector<16xf32>,
          %swap3A_490 = arith.constant 10 : i32
          %swap3A_491 = arith.index_cast %swap3A_490 : i32 to index
          %swap3A_492 = arith.constant 48 : index
          %swap3A_493 = tpu.vector_load %arg9[%swap3A_491, %swap3A_492] {strides = array<i32>} : memref<16x128xf32, #tpu.memory_space<vmem>>, vector<16xf32>,
          tpu.vector_store %arg9[%swap3A_491, %swap3A_492], %gather3A_489 {strides = array<i32>} : memref<16x128xf32, #tpu.memory_space<vmem>>, vector<16xf32>,
          %slice3A_494 = vector.extract_strided_slice %sub3A_108 {offsets = [11], sizes = [1], strides = [1]} : vector<16xi32> to vector<1xi32>
          %squeeze3A_495 = vector.extract %slice3A_494[0] : i32 from vector<1xi32>
          %broadcast_in_dim3A_496 = vector.broadcast %squeeze3A_495 : i32 to vector<16xi32>
          %add3A_497 = arith.constant 0 : i32
          %add3A_498 = vector.broadcast %add3A_497 : i32 to vector<16xi32>
          %add3A_499 = arith.addi %iota3A, %add3A_498 : vector<16xi32>
          %gather3A_500 = tpu.vector_load_idx %arg8[%add3A_499, %broadcast_in_dim3A_496] : memref<64x512xf32, #tpu.memory_space<vmem>>[vector<16xi32>, vector<16xi32>], vector<16xf32>,
          %swap3A_501 = arith.constant 11 : i32
          %swap3A_502 = arith.index_cast %swap3A_501 : i32 to index
          %swap3A_503 = arith.constant 0 : index
          %swap3A_504 = tpu.vector_load %arg9[%swap3A_502, %swap3A_503] {strides = array<i32>} : memref<16x128xf32, #tpu.memory_space<vmem>>, vector<16xf32>,
          tpu.vector_store %arg9[%swap3A_502, %swap3A_503], %gather3A_500 {strides = array<i32>} : memref<16x128xf32, #tpu.memory_space<vmem>>, vector<16xf32>,
          %add3A_505 = arith.constant 16 : i32
          %add3A_506 = vector.broadcast %add3A_505 : i32 to vector<16xi32>
          %add3A_507 = arith.addi %iota3A, %add3A_506 : vector<16xi32>
          %gather3A_508 = tpu.vector_load_idx %arg8[%add3A_507, %broadcast_in_dim3A_496] : memref<64x512xf32, #tpu.memory_space<vmem>>[vector<16xi32>, vector<16xi32>], vector<16xf32>,
          %swap3A_509 = arith.constant 11 : i32
          %swap3A_510 = arith.index_cast %swap3A_509 : i32 to index
          %swap3A_511 = arith.constant 16 : index
          %swap3A_512 = tpu.vector_load %arg9[%swap3A_510, %swap3A_511] {strides = array<i32>} : memref<16x128xf32, #tpu.memory_space<vmem>>, vector<16xf32>,
          tpu.vector_store %arg9[%swap3A_510, %swap3A_511], %gather3A_508 {strides = array<i32>} : memref<16x128xf32, #tpu.memory_space<vmem>>, vector<16xf32>,
          %add3A_513 = arith.constant 32 : i32
          %add3A_514 = vector.broadcast %add3A_513 : i32 to vector<16xi32>
          %add3A_515 = arith.addi %iota3A, %add3A_514 : vector<16xi32>
          %gather3A_516 = tpu.vector_load_idx %arg8[%add3A_515, %broadcast_in_dim3A_496] : memref<64x512xf32, #tpu.memory_space<vmem>>[vector<16xi32>, vector<16xi32>], vector<16xf32>,
          %swap3A_517 = arith.constant 11 : i32
          %swap3A_518 = arith.index_cast %swap3A_517 : i32 to index
          %swap3A_519 = arith.constant 32 : index
          %swap3A_520 = tpu.vector_load %arg9[%swap3A_518, %swap3A_519] {strides = array<i32>} : memref<16x128xf32, #tpu.memory_space<vmem>>, vector<16xf32>,
          tpu.vector_store %arg9[%swap3A_518, %swap3A_519], %gather3A_516 {strides = array<i32>} : memref<16x128xf32, #tpu.memory_space<vmem>>, vector<16xf32>,
          %add3A_521 = arith.constant 48 : i32
          %add3A_522 = vector.broadcast %add3A_521 : i32 to vector<16xi32>
          %add3A_523 = arith.addi %iota3A, %add3A_522 : vector<16xi32>
          %gather3A_524 = tpu.vector_load_idx %arg8[%add3A_523, %broadcast_in_dim3A_496] : memref<64x512xf32, #tpu.memory_space<vmem>>[vector<16xi32>, vector<16xi32>], vector<16xf32>,
          %swap3A_525 = arith.constant 11 : i32
          %swap3A_526 = arith.index_cast %swap3A_525 : i32 to index
          %swap3A_527 = arith.constant 48 : index
          %swap3A_528 = tpu.vector_load %arg9[%swap3A_526, %swap3A_527] {strides = array<i32>} : memref<16x128xf32, #tpu.memory_space<vmem>>, vector<16xf32>,
          tpu.vector_store %arg9[%swap3A_526, %swap3A_527], %gather3A_524 {strides = array<i32>} : memref<16x128xf32, #tpu.memory_space<vmem>>, vector<16xf32>,
          %slice3A_529 = vector.extract_strided_slice %sub3A_108 {offsets = [12], sizes = [1], strides = [1]} : vector<16xi32> to vector<1xi32>
          %squeeze3A_530 = vector.extract %slice3A_529[0] : i32 from vector<1xi32>
          %broadcast_in_dim3A_531 = vector.broadcast %squeeze3A_530 : i32 to vector<16xi32>
          %add3A_532 = arith.constant 0 : i32
          %add3A_533 = vector.broadcast %add3A_532 : i32 to vector<16xi32>
          %add3A_534 = arith.addi %iota3A, %add3A_533 : vector<16xi32>
          %gather3A_535 = tpu.vector_load_idx %arg8[%add3A_534, %broadcast_in_dim3A_531] : memref<64x512xf32, #tpu.memory_space<vmem>>[vector<16xi32>, vector<16xi32>], vector<16xf32>,
          %swap3A_536 = arith.constant 12 : i32
          %swap3A_537 = arith.index_cast %swap3A_536 : i32 to index
          %swap3A_538 = arith.constant 0 : index
          %swap3A_539 = tpu.vector_load %arg9[%swap3A_537, %swap3A_538] {strides = array<i32>} : memref<16x128xf32, #tpu.memory_space<vmem>>, vector<16xf32>,
          tpu.vector_store %arg9[%swap3A_537, %swap3A_538], %gather3A_535 {strides = array<i32>} : memref<16x128xf32, #tpu.memory_space<vmem>>, vector<16xf32>,
          %add3A_540 = arith.constant 16 : i32
          %add3A_541 = vector.broadcast %add3A_540 : i32 to vector<16xi32>
          %add3A_542 = arith.addi %iota3A, %add3A_541 : vector<16xi32>
          %gather3A_543 = tpu.vector_load_idx %arg8[%add3A_542, %broadcast_in_dim3A_531] : memref<64x512xf32, #tpu.memory_space<vmem>>[vector<16xi32>, vector<16xi32>], vector<16xf32>,
          %swap3A_544 = arith.constant 12 : i32
          %swap3A_545 = arith.index_cast %swap3A_544 : i32 to index
          %swap3A_546 = arith.constant 16 : index
          %swap3A_547 = tpu.vector_load %arg9[%swap3A_545, %swap3A_546] {strides = array<i32>} : memref<16x128xf32, #tpu.memory_space<vmem>>, vector<16xf32>,
          tpu.vector_store %arg9[%swap3A_545, %swap3A_546], %gather3A_543 {strides = array<i32>} : memref<16x128xf32, #tpu.memory_space<vmem>>, vector<16xf32>,
          %add3A_548 = arith.constant 32 : i32
          %add3A_549 = vector.broadcast %add3A_548 : i32 to vector<16xi32>
          %add3A_550 = arith.addi %iota3A, %add3A_549 : vector<16xi32>
          %gather3A_551 = tpu.vector_load_idx %arg8[%add3A_550, %broadcast_in_dim3A_531] : memref<64x512xf32, #tpu.memory_space<vmem>>[vector<16xi32>, vector<16xi32>], vector<16xf32>,
          %swap3A_552 = arith.constant 12 : i32
          %swap3A_553 = arith.index_cast %swap3A_552 : i32 to index
          %swap3A_554 = arith.constant 32 : index
          %swap3A_555 = tpu.vector_load %arg9[%swap3A_553, %swap3A_554] {strides = array<i32>} : memref<16x128xf32, #tpu.memory_space<vmem>>, vector<16xf32>,
          tpu.vector_store %arg9[%swap3A_553, %swap3A_554], %gather3A_551 {strides = array<i32>} : memref<16x128xf32, #tpu.memory_space<vmem>>, vector<16xf32>,
          %add3A_556 = arith.constant 48 : i32
          %add3A_557 = vector.broadcast %add3A_556 : i32 to vector<16xi32>
          %add3A_558 = arith.addi %iota3A, %add3A_557 : vector<16xi32>
          %gather3A_559 = tpu.vector_load_idx %arg8[%add3A_558, %broadcast_in_dim3A_531] : memref<64x512xf32, #tpu.memory_space<vmem>>[vector<16xi32>, vector<16xi32>], vector<16xf32>,
          %swap3A_560 = arith.constant 12 : i32
          %swap3A_561 = arith.index_cast %swap3A_560 : i32 to index
          %swap3A_562 = arith.constant 48 : index
          %swap3A_563 = tpu.vector_load %arg9[%swap3A_561, %swap3A_562] {strides = array<i32>} : memref<16x128xf32, #tpu.memory_space<vmem>>, vector<16xf32>,
          tpu.vector_store %arg9[%swap3A_561, %swap3A_562], %gather3A_559 {strides = array<i32>} : memref<16x128xf32, #tpu.memory_space<vmem>>, vector<16xf32>,
          %slice3A_564 = vector.extract_strided_slice %sub3A_108 {offsets = [13], sizes = [1], strides = [1]} : vector<16xi32> to vector<1xi32>
          %squeeze3A_565 = vector.extract %slice3A_564[0] : i32 from vector<1xi32>
          %broadcast_in_dim3A_566 = vector.broadcast %squeeze3A_565 : i32 to vector<16xi32>
          %add3A_567 = arith.constant 0 : i32
          %add3A_568 = vector.broadcast %add3A_567 : i32 to vector<16xi32>
          %add3A_569 = arith.addi %iota3A, %add3A_568 : vector<16xi32>
          %gather3A_570 = tpu.vector_load_idx %arg8[%add3A_569, %broadcast_in_dim3A_566] : memref<64x512xf32, #tpu.memory_space<vmem>>[vector<16xi32>, vector<16xi32>], vector<16xf32>,
          %swap3A_571 = arith.constant 13 : i32
          %swap3A_572 = arith.index_cast %swap3A_571 : i32 to index
          %swap3A_573 = arith.constant 0 : index
          %swap3A_574 = tpu.vector_load %arg9[%swap3A_572, %swap3A_573] {strides = array<i32>} : memref<16x128xf32, #tpu.memory_space<vmem>>, vector<16xf32>,
          tpu.vector_store %arg9[%swap3A_572, %swap3A_573], %gather3A_570 {strides = array<i32>} : memref<16x128xf32, #tpu.memory_space<vmem>>, vector<16xf32>,
          %add3A_575 = arith.constant 16 : i32
          %add3A_576 = vector.broadcast %add3A_575 : i32 to vector<16xi32>
          %add3A_577 = arith.addi %iota3A, %add3A_576 : vector<16xi32>
          %gather3A_578 = tpu.vector_load_idx %arg8[%add3A_577, %broadcast_in_dim3A_566] : memref<64x512xf32, #tpu.memory_space<vmem>>[vector<16xi32>, vector<16xi32>], vector<16xf32>,
          %swap3A_579 = arith.constant 13 : i32
          %swap3A_580 = arith.index_cast %swap3A_579 : i32 to index
          %swap3A_581 = arith.constant 16 : index
          %swap3A_582 = tpu.vector_load %arg9[%swap3A_580, %swap3A_581] {strides = array<i32>} : memref<16x128xf32, #tpu.memory_space<vmem>>, vector<16xf32>,
          tpu.vector_store %arg9[%swap3A_580, %swap3A_581], %gather3A_578 {strides = array<i32>} : memref<16x128xf32, #tpu.memory_space<vmem>>, vector<16xf32>,
          %add3A_583 = arith.constant 32 : i32
          %add3A_584 = vector.broadcast %add3A_583 : i32 to vector<16xi32>
          %add3A_585 = arith.addi %iota3A, %add3A_584 : vector<16xi32>
          %gather3A_586 = tpu.vector_load_idx %arg8[%add3A_585, %broadcast_in_dim3A_566] : memref<64x512xf32, #tpu.memory_space<vmem>>[vector<16xi32>, vector<16xi32>], vector<16xf32>,
          %swap3A_587 = arith.constant 13 : i32
          %swap3A_588 = arith.index_cast %swap3A_587 : i32 to index
          %swap3A_589 = arith.constant 32 : index
          %swap3A_590 = tpu.vector_load %arg9[%swap3A_588, %swap3A_589] {strides = array<i32>} : memref<16x128xf32, #tpu.memory_space<vmem>>, vector<16xf32>,
          tpu.vector_store %arg9[%swap3A_588, %swap3A_589], %gather3A_586 {strides = array<i32>} : memref<16x128xf32, #tpu.memory_space<vmem>>, vector<16xf32>,
          %add3A_591 = arith.constant 48 : i32
          %add3A_592 = vector.broadcast %add3A_591 : i32 to vector<16xi32>
          %add3A_593 = arith.addi %iota3A, %add3A_592 : vector<16xi32>
          %gather3A_594 = tpu.vector_load_idx %arg8[%add3A_593, %broadcast_in_dim3A_566] : memref<64x512xf32, #tpu.memory_space<vmem>>[vector<16xi32>, vector<16xi32>], vector<16xf32>,
          %swap3A_595 = arith.constant 13 : i32
          %swap3A_596 = arith.index_cast %swap3A_595 : i32 to index
          %swap3A_597 = arith.constant 48 : index
          %swap3A_598 = tpu.vector_load %arg9[%swap3A_596, %swap3A_597] {strides = array<i32>} : memref<16x128xf32, #tpu.memory_space<vmem>>, vector<16xf32>,
          tpu.vector_store %arg9[%swap3A_596, %swap3A_597], %gather3A_594 {strides = array<i32>} : memref<16x128xf32, #tpu.memory_space<vmem>>, vector<16xf32>,
          %slice3A_599 = vector.extract_strided_slice %sub3A_108 {offsets = [14], sizes = [1], strides = [1]} : vector<16xi32> to vector<1xi32>
          %squeeze3A_600 = vector.extract %slice3A_599[0] : i32 from vector<1xi32>
          %broadcast_in_dim3A_601 = vector.broadcast %squeeze3A_600 : i32 to vector<16xi32>
          %add3A_602 = arith.constant 0 : i32
          %add3A_603 = vector.broadcast %add3A_602 : i32 to vector<16xi32>
          %add3A_604 = arith.addi %iota3A, %add3A_603 : vector<16xi32>
          %gather3A_605 = tpu.vector_load_idx %arg8[%add3A_604, %broadcast_in_dim3A_601] : memref<64x512xf32, #tpu.memory_space<vmem>>[vector<16xi32>, vector<16xi32>], vector<16xf32>,
          %swap3A_606 = arith.constant 14 : i32
          %swap3A_607 = arith.index_cast %swap3A_606 : i32 to index
          %swap3A_608 = arith.constant 0 : index
          %swap3A_609 = tpu.vector_load %arg9[%swap3A_607, %swap3A_608] {strides = array<i32>} : memref<16x128xf32, #tpu.memory_space<vmem>>, vector<16xf32>,
          tpu.vector_store %arg9[%swap3A_607, %swap3A_608], %gather3A_605 {strides = array<i32>} : memref<16x128xf32, #tpu.memory_space<vmem>>, vector<16xf32>,
          %add3A_610 = arith.constant 16 : i32
          %add3A_611 = vector.broadcast %add3A_610 : i32 to vector<16xi32>
          %add3A_612 = arith.addi %iota3A, %add3A_611 : vector<16xi32>
          %gather3A_613 = tpu.vector_load_idx %arg8[%add3A_612, %broadcast_in_dim3A_601] : memref<64x512xf32, #tpu.memory_space<vmem>>[vector<16xi32>, vector<16xi32>], vector<16xf32>,
          %swap3A_614 = arith.constant 14 : i32
          %swap3A_615 = arith.index_cast %swap3A_614 : i32 to index
          %swap3A_616 = arith.constant 16 : index
          %swap3A_617 = tpu.vector_load %arg9[%swap3A_615, %swap3A_616] {strides = array<i32>} : memref<16x128xf32, #tpu.memory_space<vmem>>, vector<16xf32>,
          tpu.vector_store %arg9[%swap3A_615, %swap3A_616], %gather3A_613 {strides = array<i32>} : memref<16x128xf32, #tpu.memory_space<vmem>>, vector<16xf32>,
          %add3A_618 = arith.constant 32 : i32
          %add3A_619 = vector.broadcast %add3A_618 : i32 to vector<16xi32>
          %add3A_620 = arith.addi %iota3A, %add3A_619 : vector<16xi32>
          %gather3A_621 = tpu.vector_load_idx %arg8[%add3A_620, %broadcast_in_dim3A_601] : memref<64x512xf32, #tpu.memory_space<vmem>>[vector<16xi32>, vector<16xi32>], vector<16xf32>,
          %swap3A_622 = arith.constant 14 : i32
          %swap3A_623 = arith.index_cast %swap3A_622 : i32 to index
          %swap3A_624 = arith.constant 32 : index
          %swap3A_625 = tpu.vector_load %arg9[%swap3A_623, %swap3A_624] {strides = array<i32>} : memref<16x128xf32, #tpu.memory_space<vmem>>, vector<16xf32>,
          tpu.vector_store %arg9[%swap3A_623, %swap3A_624], %gather3A_621 {strides = array<i32>} : memref<16x128xf32, #tpu.memory_space<vmem>>, vector<16xf32>,
          %add3A_626 = arith.constant 48 : i32
          %add3A_627 = vector.broadcast %add3A_626 : i32 to vector<16xi32>
          %add3A_628 = arith.addi %iota3A, %add3A_627 : vector<16xi32>
          %gather3A_629 = tpu.vector_load_idx %arg8[%add3A_628, %broadcast_in_dim3A_601] : memref<64x512xf32, #tpu.memory_space<vmem>>[vector<16xi32>, vector<16xi32>], vector<16xf32>,
          %swap3A_630 = arith.constant 14 : i32
          %swap3A_631 = arith.index_cast %swap3A_630 : i32 to index
          %swap3A_632 = arith.constant 48 : index
          %swap3A_633 = tpu.vector_load %arg9[%swap3A_631, %swap3A_632] {strides = array<i32>} : memref<16x128xf32, #tpu.memory_space<vmem>>, vector<16xf32>,
          tpu.vector_store %arg9[%swap3A_631, %swap3A_632], %gather3A_629 {strides = array<i32>} : memref<16x128xf32, #tpu.memory_space<vmem>>, vector<16xf32>,
          %slice3A_634 = vector.extract_strided_slice %sub3A_108 {offsets = [15], sizes = [1], strides = [1]} : vector<16xi32> to vector<1xi32>
          %squeeze3A_635 = vector.extract %slice3A_634[0] : i32 from vector<1xi32>
          %broadcast_in_dim3A_636 = vector.broadcast %squeeze3A_635 : i32 to vector<16xi32>
          %add3A_637 = arith.constant 0 : i32
          %add3A_638 = vector.broadcast %add3A_637 : i32 to vector<16xi32>
          %add3A_639 = arith.addi %iota3A, %add3A_638 : vector<16xi32>
          %gather3A_640 = tpu.vector_load_idx %arg8[%add3A_639, %broadcast_in_dim3A_636] : memref<64x512xf32, #tpu.memory_space<vmem>>[vector<16xi32>, vector<16xi32>], vector<16xf32>,
          %swap3A_641 = arith.constant 15 : i32
          %swap3A_642 = arith.index_cast %swap3A_641 : i32 to index
          %swap3A_643 = arith.constant 0 : index
          %swap3A_644 = tpu.vector_load %arg9[%swap3A_642, %swap3A_643] {strides = array<i32>} : memref<16x128xf32, #tpu.memory_space<vmem>>, vector<16xf32>,
          tpu.vector_store %arg9[%swap3A_642, %swap3A_643], %gather3A_640 {strides = array<i32>} : memref<16x128xf32, #tpu.memory_space<vmem>>, vector<16xf32>,
          %add3A_645 = arith.constant 16 : i32
          %add3A_646 = vector.broadcast %add3A_645 : i32 to vector<16xi32>
          %add3A_647 = arith.addi %iota3A, %add3A_646 : vector<16xi32>
          %gather3A_648 = tpu.vector_load_idx %arg8[%add3A_647, %broadcast_in_dim3A_636] : memref<64x512xf32, #tpu.memory_space<vmem>>[vector<16xi32>, vector<16xi32>], vector<16xf32>,
          %swap3A_649 = arith.constant 15 : i32
          %swap3A_650 = arith.index_cast %swap3A_649 : i32 to index
          %swap3A_651 = arith.constant 16 : index
          %swap3A_652 = tpu.vector_load %arg9[%swap3A_650, %swap3A_651] {strides = array<i32>} : memref<16x128xf32, #tpu.memory_space<vmem>>, vector<16xf32>,
          tpu.vector_store %arg9[%swap3A_650, %swap3A_651], %gather3A_648 {strides = array<i32>} : memref<16x128xf32, #tpu.memory_space<vmem>>, vector<16xf32>,
          %add3A_653 = arith.constant 32 : i32
          %add3A_654 = vector.broadcast %add3A_653 : i32 to vector<16xi32>
          %add3A_655 = arith.addi %iota3A, %add3A_654 : vector<16xi32>
          %gather3A_656 = tpu.vector_load_idx %arg8[%add3A_655, %broadcast_in_dim3A_636] : memref<64x512xf32, #tpu.memory_space<vmem>>[vector<16xi32>, vector<16xi32>], vector<16xf32>,
          %swap3A_657 = arith.constant 15 : i32
          %swap3A_658 = arith.index_cast %swap3A_657 : i32 to index
          %swap3A_659 = arith.constant 32 : index
          %swap3A_660 = tpu.vector_load %arg9[%swap3A_658, %swap3A_659] {strides = array<i32>} : memref<16x128xf32, #tpu.memory_space<vmem>>, vector<16xf32>,
          tpu.vector_store %arg9[%swap3A_658, %swap3A_659], %gather3A_656 {strides = array<i32>} : memref<16x128xf32, #tpu.memory_space<vmem>>, vector<16xf32>,
          %add3A_661 = arith.constant 48 : i32
          %add3A_662 = vector.broadcast %add3A_661 : i32 to vector<16xi32>
          %add3A_663 = arith.addi %iota3A, %add3A_662 : vector<16xi32>
          %gather3A_664 = tpu.vector_load_idx %arg8[%add3A_663, %broadcast_in_dim3A_636] : memref<64x512xf32, #tpu.memory_space<vmem>>[vector<16xi32>, vector<16xi32>], vector<16xf32>,
          %swap3A_665 = arith.constant 15 : i32
          %swap3A_666 = arith.index_cast %swap3A_665 : i32 to index
          %swap3A_667 = arith.constant 48 : index
          %swap3A_668 = tpu.vector_load %arg9[%swap3A_666, %swap3A_667] {strides = array<i32>} : memref<16x128xf32, #tpu.memory_space<vmem>>, vector<16xf32>,
          tpu.vector_store %arg9[%swap3A_666, %swap3A_667], %gather3A_664 {strides = array<i32>} : memref<16x128xf32, #tpu.memory_space<vmem>>, vector<16xf32>,
          %dma_start3A = arith.constant 0 : i32
          %dma_start3A_669 = arith.constant 0 : i32
          %dma_start3A_670 = tpu.memref_slice %arg4[%dma_start3A, %dma_start3A_669] : memref<16392x128xf32, #tpu.memory_space<hbm>> -> memref<16392x128xf32, #tpu.memory_space<hbm>>
          tpu.enqueue_indirect_dma source(%arg9 : memref<16x128xf32, #tpu.memory_space<vmem>>) target(%dma_start3A_670 : memref<16392x128xf32, #tpu.memory_space<hbm>>) offsets(%and3A_111 : vector<16xi32>) semaphore(%arg10 : memref<!tpu.dma_semaphore, #tpu.memory_space<semaphore_mem>>)
          %dma_wait3A = arith.constant 0 : i32
          %dma_wait3A_671 = arith.constant 0 : i32
          %dma_wait3A_672 = tpu.memref_slice %arg4[%dma_wait3A, %dma_wait3A_671] : memref<16392x128xf32, #tpu.memory_space<hbm>> -> memref<16392x128xf32, #tpu.memory_space<hbm>>
          tpu.wait_indirect_dma semaphore(%arg10 : memref<!tpu.dma_semaphore, #tpu.memory_space<semaphore_mem>>) src(%arg9 : memref<16x128xf32, #tpu.memory_space<vmem>>) dst(%dma_wait3A_672 : memref<16392x128xf32, #tpu.memory_space<hbm>>)
        }
      } else {
      }
    }
    %scan3A_16 = arith.constant 62 : i32
    return
  }
}

</mosaic_0001>

<sc_bundles>
// kernel: kernel.3.cloned.1.call-start
scs
__scs_entry_jumppad:
0x0: {  	(pc) =	sbr.rel $0x88, $3  }
0x1: {  	(tag) =	ssettag $0x0;
	lr =	simm.s32 $0x1  }
0x2: {  	[smem:$0x3F9F] =	sst lr;
	_ =	strace $0xD0000000  }
0x3: {  	_ = 	snop  }
0x4: {  	_ = 	snop  }
0x5: {  	_ = 	snop  }
0x6: {  	_ = 	snop  }
0x7: {  	_ = 	snop  }
__scs_overlays_trampoline_lowered:
0x8: {  	[smem:$0x3FAE] =	sst s0  }
0x9: {  	[smem:$0x3FAF] =	sst s1  }
0xa: {  	[smem:$0x3FB0] =	sst s2  }
0xb: {  	[smem:$0x3FB1] =	sst s3  }
0xc: {  	[smem:$0x3FB2] =	sst s4  }
0xd: {  	[smem:$0x3FB3] =	sst s5  }
0xe: {  	[smem:$0x3FB4] =	sst s6  }
0xf: {  	[smem:$0x3FB5] =	sst s7  }
0x10: {  	[smem:$0x3FB6] =	sst s8  }
0x11: {  	[smem:$0x3FB7] =	sst s9;
	s0 =	simm.s32 @!p0 $0x0  }
0x12: {  	s1 =	sld [smem:$0x3F9D];
	s0 =	simm.s32 @p0 $0x1  }
0x13: {  	[smem:$0x3FB8] =	sst s0;
	s0 =	simm.s32 @!p1 $0x0  }
0x14: {  	s2 =	sld [smem:$0x3F9C];
	s0 =	simm.s32 @p1 $0x1  }
0x15: {  	[smem:$0x3FB9] =	sst s0;
	s0 =	simm.s32 @!p2 $0x0  }
0x16: {  	s3 =	sld [smem:$0x3FDB];
	s0 =	simm.s32 @p2 $0x1  }
0x17: {  	s4 =	simm.s32 $0x1BF5;
	[smem:$0x3FBB] =	sst s0  }
0x18: {  	s0 =	sld [smem:$0x3F9E];
	_ =	swait.ge [sflag:s4], $0x0  }
0x19: {  	s7 =	sld [smem:$0x3F9F]  }
0x1a: {  	s8 =	sadd.s32 $0xFFFFE003, lr  }
0x1b: {  	s9 =	sadd.s32 $0xFFFFFEF7, lr;
	s5 =	simm.s32 $0xFFFFFFFF;
	p2 =	slt.u32 s8, $0xFFFFF086  }
0x1c: {  	p1 =	slt.u32 s9, $0xF7A;
	s5 =	simm.s32 @!p2 $0x0  }
0x1d: {  	s5 =	simm.s32 @p1 $0x1;
	p0 =	seq.s32 s7, s2  }
0x1e: {  	s7 =	smul.u32 @!p0 $0xF7A, s2;
	p2 =	seq.s32 @!p0 s5, $0x0  }
0x1f: {  	s9 =	smul.u32 $0xF7A, s1;
	s8 =	simm.s32 @!p0 $0x1BF5;
	p2 =	por !p2, p0  }
0x20: {  	[sflag:s8] =	ssyncset.s32 @!p0 $0xFFFFF086;
	s6 =	sadd.s32 @!p0 s3, s7;
	s7 =	simm.s32 @!p0 $0x108  }
0x21: {  	s3 =	sadd.s32 s3, s9;
	s6 =	sadd.s32 @!p0 $0x88, s6;
	s7 =	simm.s32 @p2 $0x1082  }
0x22: {  	[simem:s7], [sflag:s8] =	dma.local @!p0 [hbm:s6], $0xF7A  }
0x23: {  	s9 =	sor.u32 $0xD0000000, s2;
	s6 =	simm.s32 $0x108;
	_ =	swait.ge @!p0 [sflag:s8], $0x0  }
0x24: {  	s3 =	sadd.s32 $0x88, s3;
	s6 =	simm.s32 @!p1 $0x1082;
	[sflag:s4] =	ssyncset.s32 $0xFFFFF086  }
0x25: {  	[simem:s6], [sflag:s4] =	dma.local [hbm:s3], $0xF7A  }
0x26: {  	[smem:$0x3F9F] =	sst s1;
	(tag) =	ssettag s2;
	_ =	strace s9  }
0x27: {  	s1 =	sld [smem:$0x3FAF]  }
0x28: {  	s2 =	sld [smem:$0x3FB0]  }
0x29: {  	s4 =	sld [smem:$0x3FB2]  }
0x2a: {  	p0 =	seq.s32 s5, $0x0;
	s5 =	sld [smem:$0x3FB3]  }
0x2b: {  	s6 =	sld [smem:$0x3FB4]  }
0x2c: {  	s7 =	sld [smem:$0x3FB5]  }
0x2d: {  	s3 =	simm.s32 $0x108;
	s8 =	sld [smem:$0x3FB6]  }
0x2e: {  	s3 =	simm.s32 @!p0 $0x1082;
	s9 =	sld [smem:$0x3FB7]  }
0x2f: {  	lr =	sadd.s32 s0, s3;
	s0 =	sld [smem:$0x3FAE]  }
0x30: {  	s3 =	sld [smem:$0x3FB1]  }
0x31: {  	[smem:$0x3FBA] =	sst s10  }
0x32: {  	s10 =	sld [smem:$0x3FB8];
	_ =	sdelay $0x3  }
0x33: {  	p0 =	seq.s32 s10, $0x1;
	s10 =	sld [smem:$0x3FBA];
	_ =	sdelay $0x3  }
0x34: {  	[smem:$0x3FBA] =	sst s10  }
0x35: {  	s10 =	sld [smem:$0x3FB9];
	_ =	sdelay $0x3  }
0x36: {  	p1 =	seq.s32 s10, $0x1;
	s10 =	sld [smem:$0x3FBA];
	_ =	sdelay $0x3  }
0x37: {  	[smem:$0x3FBA] =	sst s10  }
0x38: {  	s10 =	sld [smem:$0x3FBB]  }
0x39: {  	_ = 	snop;
	(pc) =	sbr.ind lr, $3  }
0x3a: {  	_ = 	snop  }
0x3b: {  	_ = 	snop  }
0x3c: {  	p2 =	seq.s32 s10, $0x1;
	s10 =	sld [smem:$0x3FBA]  }
0x3d: {  	_ =	shalt  }
0x3e: {  	_ =	shalt  }
0x3f: {  	_ =	shalt  }
0x40: {  	_ =	shalt  }
0x41: {  	_ =	shalt  }
0x42: {  	_ =	shalt  }
0x43: {  	_ =	shalt  }
0x44: {  	_ =	shalt  }
0x45: {  	_ =	shalt  }
0x46: {  	_ =	shalt  }
0x47: {  	_ =	shalt  }
0x48: {  	_ =	shalt  }
0x49: {  	_ =	shalt  }
0x4a: {  	_ =	shalt  }
0x4b: {  	_ =	shalt  }
0x4c: {  	_ =	shalt  }
0x4d: {  	_ =	shalt  }
0x4e: {  	_ =	shalt  }
0x4f: {  	_ =	shalt  }
0x50: {  	_ =	shalt  }
0x51: {  	_ =	shalt  }
0x52: {  	_ =	shalt  }
0x53: {  	_ =	shalt  }
0x54: {  	_ =	shalt  }
0x55: {  	_ =	shalt  }
0x56: {  	_ =	shalt  }
0x57: {  	_ =	shalt  }
0x58: {  	_ =	shalt  }
0x59: {  	_ =	shalt  }
0x5a: {  	_ =	shalt  }
0x5b: {  	_ =	shalt  }
0x5c: {  	_ =	shalt  }
0x5d: {  	_ =	shalt  }
0x5e: {  	_ =	shalt  }
0x5f: {  	_ =	shalt  }
0x60: {  	_ =	shalt  }
0x61: {  	_ =	shalt  }
0x62: {  	_ =	shalt  }
0x63: {  	_ =	shalt  }
0x64: {  	_ =	shalt  }
0x65: {  	_ =	shalt  }
0x66: {  	_ =	shalt  }
0x67: {  	_ =	shalt  }
0x68: {  	_ =	shalt  }
0x69: {  	_ =	shalt  }
0x6a: {  	_ =	shalt  }
0x6b: {  	_ =	shalt  }
0x6c: {  	_ =	shalt  }
0x6d: {  	_ =	shalt  }
0x6e: {  	_ =	shalt  }
0x6f: {  	_ =	shalt  }
0x70: {  	_ =	shalt  }
0x71: {  	_ =	shalt  }
0x72: {  	_ =	shalt  }
0x73: {  	_ =	shalt  }
0x74: {  	_ =	shalt  }
0x75: {  	_ =	shalt  }
0x76: {  	_ =	shalt  }
0x77: {  	_ =	shalt  }
0x78: {  	_ =	shalt  }
0x79: {  	_ =	shalt  }
0x7a: {  	_ =	shalt  }
0x7b: {  	_ =	shalt  }
0x7c: {  	_ =	shalt  }
0x7d: {  	_ =	shalt  }
0x7e: {  	_ =	shalt  }
0x7f: {  	_ =	shalt  }
0x80: {  	_ =	shalt  }
0x81: {  	_ =	shalt  }
0x82: {  	_ =	shalt  }
0x83: {  	_ =	shalt  }
0x84: {  	_ =	shalt  }
0x85: {  	_ =	shalt  }
0x86: {  	_ =	shalt  }
0x87: {  	_ =	shalt  }
.Lfunc_end0:
.L_simem_size_0:
called_computation_lowered:
.L_overlay_start_0:
0x88: {  	s2 =	sld [smem:$0x3FD9]  }
0x89: {  	s3 =	sld [smem:$0x3FFE];
	_ =	sdelay $0x1  }
0x8a: {  	s1 =	srdreg.scid  }
0x8b: {  	s0 =	sand.u32 $0x1, s1  }
0x8c: {  	s17 =	sshll.u32 s0, $0xA;
	s2 =	sadd.s32 s3, s2  }
0x8d: {  	s2 =	sadd.s32 s2, s17  }
0x8e: {  	[smem:$0x3FC6] =	sst s2  }
0x8f: {  	_ = 	snop  }
0x90: {  	s2 =	sld [smem:$0x3FC9]  }
0x91: {  	s18 =	sld [smem:$0x3FC8];
	(tm) =	ssettm $0x1  }
0x92: {  	s4 =	sld [smem:$0x3FFB];
	_ =	sdelay $0x3  }
0x93: {  	_ =	strace s4  }
0x94: {  	s4 =	sld [smem:$0x3FFC];
	_ =	sdelay $0x3  }
0x95: {  	_ =	strace s4  }
0x96: {  	s4 =	sld [smem:$0x3FFD];
	_ =	sdelay $0x3  }
0x97: {  	_ =	strace s4  }
0x98: {  	_ =	strace $0x8FFFFFFF  }
0x99: {  	s19 =	sld [smem:$0x3FDB];
	_ =	sdelay $0x1  }
0x9a: {  	s5 =	simm.s32 $_scs_section_size  }
0x9b: {  	s6 =	simm.s32 $_size__tile_overlayer_lowered;
	s7 =	simm.s32 $_tile_overlayer_lowered  }
0x9c: {  	s22 =	simm.s32 $0x1BFF;
	s21 =	sshll.u32 s7, $0x1;
	s4 =	sadd.s32 s5, s19  }
0x9d: {  	s8 =	simm.s32 $0x0;
	s20 =	sshll.u32 s6, $0x1;
	s6 =	sadd.s32 s21, s4  }
0x9e: {  	[timem:s8], [sflag:s22] =	dma.local [hbm:s6], s20  }
0x9f: {  	_ =	swait.ge [sflag:s22], s20  }
0xa0: {  	s5 =	ssub.s32 $0x0, s20;
	[sflag:s22] =	ssyncset.done $0x0  }
0xa1: {  	[sflag:s22] =	ssyncadd.s32 s5;
	_ =	sdelay $0x1  }
0xa2: {  	s23 =	simm.s32 $0x1B8B  }
0xa3: {  	_ =	swait.ge [sflag:s23], $0x1  }
0xa4: {  	[sflag:s23] =	ssyncset.done $0x0  }
0xa5: {  	s25 =	simm.s32 $0x1B8E;
	s24 =	sld [smem:$0x3FFE];
	[sflag:s23] =	ssyncadd.s32 $0xFFFFFFFF  }
0xa6: {  	s26 =	simm.s32 $execute0_lowered;
	[smem:$0x3FD2] =	sst s25  }
0xa7: {  	s6 =	sshll.u32 s26, $0x1;
	_ =	strace $0x80000046;
	[dreg:$0x1] =	wrdreg $0xFFFFFFFF  }
0xa8: {  	s28 =	simm.s32 $_size_execute0_lowered;
	s4 =	sadd.s32 s4, s6;
	[dreg:$0x0] =	wrdreg $0x0  }
0xa9: {  	s6 =	sshll.u32 s28, $0x1;
	[dreg:$0x2] =	wrdreg s4  }
0xaa: {  	[dreg:$0x3] =	wrdreg s6  }
0xab: {  	[dreg:$0x4] =	wrdreg $0xC0  }
0xac: {  	_ =	task [dreg:s8], $0x5FFFF  }
0xad: {  	[dreg:$0x1] =	wrdreg $0xFFFFFFFF  }
0xae: {  	[dreg:$0x0] =	wrdreg $0x60  }
0xaf: {  	[dreg:$0x2] =	wrdreg s2  }
0xb0: {  	[dreg:$0x3] =	wrdreg s18  }
0xb1: {  	[dreg:$0x4] =	wrdreg s24  }
0xb2: {  	[dreg:$0x5] =	wrdreg $0x9  }
0xb3: {  	_ =	task.clear_ibuf [dreg:s8], $0x6FFFF;
	_ =	strace $0x90000046  }
0xb4: {  	s29 =	simm.s32 $0x9;
	_ =	strace $0x80000048  }
0xb5: {  	_ =	swait.ge [sflag:s29], $0x1  }
0xb6: {  	[sflag:s29] =	ssyncadd.s32 $0xFFFFFFFF  }
0xb7: {  	_ =	strace $0x90000048  }
0xb8: {  	_ =	sfence  }
0xb9: {  	s30 =	sld [smem:$0x0];
	_ =	sdelay $0x2  }
0xba: {  	s31 =	sshll.u32 s1, $0xD;
	s1 =	sshrl.u32 s1, $0x2  }
0xbb: {  	s3 =	sand.u32 $0x4000, s31;
	s1 =	sadd.s32 s1, s30  }
0xbc: {  	s0 =	sor.u32 s3, s0;
	s1 =	sshll.u32 s1, $0x11  }
0xbd: {  	s0 =	sor.u32 s1, s0  }
0xbe: {  	s0 =	sadd.s32 $0x8F2B, s0  }
0xbf: {  	[sflag:s0] =	ssyncadd.remote.s32 $0x1  }
0xc0: {  	_ =	sfence.sel $0xFFFF  }
0xc1: {  	[dreg:$0x0] =	wrdreg $0xFFFFFFFF;
	(pc) =	sbr.abs _section_cstart, $3  }
0xc2: {  	[dreg:$0x1] =	wrdreg $0xFFFFFFFF  }
0xc3: {  	_ =	task.clear_ibuf [dreg:s8], $0x2FFFF;
	_ =	strace $0x9FFFFFFF  }
0xc4: {  	(tm) =	ssettm $0x7FFFFFFF  }
0xc5: {  	_ =	shalt  }
tec
execute0_lowered:
.L_overlay_start_1:
0x0: {  	(tag) =	ssettag $0x1  }
0x1: {  	v0 =	vimm.s32 $0x1380  }
0x2: {  	vm15 =	vcmask $0x300;
	vm14 =	vcmask $0x704;
	vm13 =	vcmask $0xB08  }
0x3: {  	vm12 =	vcmask $0xF0C;
	vm11 =	vcmask $0x1310;
	vm8 =	vcmask $0x1714  }
0x4: {  	vm9 =	vcmask $0x1B18;
	vm10 =	vcmask $0x1F1C;
	vm7 =	vcmask $0x2320  }
0x5: {  	vm6 =	vcmask $0x2724;
	vm5 =	vcmask $0x2B28;
	vm4 =	vcmask $0x2F2C  }
0x6: {  	vm3 =	vcmask $0x3330;
	vm2 =	vcmask $0x3734;
	vm1 =	vcmask $0x3B38  }
0x7: {  	vm0 =	vmmov $0xffff;
	v6 =	vimm.s32 $0x3380;
	v7 =	vimm.s32 $0x5380  }
0x8: {  	v8 =	vimm.s32 $0x7380;
	v0 =	vsel vm15, $0x0, v0;
	v6 =	vsel vm15, $0x2000, v6  }
0x9: {  	v7 =	vsel vm15, $0x4000, v7;
	v8 =	vsel vm15, $0x6000, v8;
	v0 =	vsel vm14, $0x80, v0  }
0xa: {  	v6 =	vsel vm14, $0x2080, v6;
	v7 =	vsel vm14, $0x4080, v7;
	v8 =	vsel vm14, $0x6080, v8  }
0xb: {  	v0 =	vsel vm13, $0x100, v0;
	v6 =	vsel vm13, $0x2100, v6;
	v7 =	vsel vm13, $0x4100, v7  }
0xc: {  	v8 =	vsel vm13, $0x6100, v8;
	v0 =	vsel vm12, $0x180, v0;
	v6 =	vsel vm12, $0x2180, v6  }
0xd: {  	v7 =	vsel vm12, $0x4180, v7;
	v8 =	vsel vm12, $0x6180, v8;
	v0 =	vsel vm11, $0x200, v0  }
0xe: {  	v6 =	vsel vm11, $0x2200, v6;
	v7 =	vsel vm11, $0x4200, v7;
	v8 =	vsel vm11, $0x6200, v8  }
0xf: {  	s1 =	srdreg.scid;
	s0 =	stileid.u32;
	v0 =	vsel vm8, $0x280, v0;
	v6 =	vsel vm8, $0x2280, v6;
	v7 =	vsel vm8, $0x4280, v7  }
0x10: {  	s4 =	sand.u32 $0x1, s1;
	s31 =	sshll.u32 s0, $0x1;
	v8 =	vsel vm8, $0x6280, v8;
	v0 =	vsel vm9, $0x300, v0;
	v6 =	vsel vm9, $0x2300, v6  }
0x11: {  	s1 =	sor.u32 s4, s31;
	v7 =	vsel vm9, $0x4300, v7;
	v8 =	vsel vm9, $0x6300, v8;
	v0 =	vsel vm10, $0x380, v0  }
0x12: {  	s1 =	smul.u32 $0x7A80, s1;
	v6 =	vsel vm10, $0x2380, v6;
	v7 =	vsel vm10, $0x4380, v7;
	v8 =	vsel vm10, $0x6380, v8  }
0x13: {  	v0 =	vsel vm7, $0x1000, v0;
	v6 =	vsel vm7, $0x3000, v6;
	v7 =	vsel vm7, $0x5000, v7  }
0x14: {  	v8 =	vsel vm7, $0x7000, v8;
	v1 =	vsel vm6, $0x1080, v0;
	v0 =	vmov s1  }
0x15: {  	s2 =	rddreg [dreg:$0x0];
	v6 =	vsel vm6, $0x3080, v6;
	v7 =	vsel vm6, $0x5080, v7;
	v8 =	vsel vm6, $0x7080, v8  }
0x16: {  	s3 =	rddreg [dreg:$0x1];
	v2 =	vsel vm5, $0x1100, v1;
	v1 =	vimm.s32 $0x0;
	v6 =	vsel vm5, $0x3100, v6  }
0x17: {  	s6 =	rddreg [dreg:$0x2];
	s5 =	simm.s32 $0x0;
	v7 =	vsel vm5, $0x5100, v7;
	v8 =	vsel vm5, $0x7100, v8;
	v3 =	vsel vm4, $0x1180, v2  }
0x18: {  	s9 =	simm.s32 $0x4000;
	s10 =	simm.s32 $0x1000;
	s12 =	simm.s32 $0x7A1400;
	v2 =	vlaneseq.u32;
	v6 =	vsel vm4, $0x3180, v6;
	v7 =	vsel vm4, $0x5180, v7  }
.Ltmp0:
0x19: {  	s11 =	simm.s32 $0x1;
	s13 =	simm.s32 $0xC100;
	v8 =	vsel vm4, $0x7180, v8;
	v4 =	vsel vm3, $0x1200, v3;
	v3 =	vor.u32 $0x4010, v2;
	(pc) =	sbr.rel .LBB2_1-.Ltmp0, $4  }
0x1a: {  	s14 =	simm.s32 $0x8080;
	s15 =	simm.s32 $0x14100;
	s7 =	ssub.s32 $0x2, s4;
	v6 =	vsel vm3, $0x3200, v6;
	v7 =	vsel vm3, $0x5200, v7;
	v8 =	vsel vm3, $0x7200, v8  }
0x1b: {  	s16 =	simm.s32 $0x0;
	[smem:$0x7FF] =	sst s5;
	s8 =	sshrl.u32 s7, $0x1;
	v5 =	vsel vm2, $0x1280, v4;
	v4 =	vimm.s32 $0x3E404000;
	v6 =	vsel vm2, $0x3280, v6  }
0x1c: {  	s6 =	sadd.s32 $0x400, s6;
	s4 =	rddreg [dreg:$0x3];
	s7 =	ssub.s32 s7, s8;
	v7 =	vsel vm2, $0x5280, v7;
	v8 =	vsel vm2, $0x7280, v8;
	v5 =	vsel vm1, $0x1300, v5  }
0x1d: {  	_ =	strace $0x80000047;
	s8 =	simm.s32 $0x2;
	s7 =	smax.u32 s7, $0x1;
	v6 =	vsel vm1, $0x3300, v6;
	v7 =	vsel vm1, $0x5300, v7;
	v8 =	vsel vm1, $0x7300, v8  }
.LBB2_14:
0x1e: {  	s16 =	sadd.s32 $0x1, s16  }
0x1f: {  	p0 =	sne.s32 s16, s7  }
.Ltmp1:
0x20: {  	_ = 	snop;
	(pc) =	sbr.rel @!p0 .LBB2_15-.Ltmp1, $1  }
0x21: {  	_ =	sdelay $0x3  }
.LBB2_1:
0x22: {  	[tilespmem:s5], [sflag:$0x2] =	stream.linear.gather [hbm4b:s2+s5], $0x4000, $0x38;
	[tilespmem:$0x14900] =	vst v63  }
0x23: {  	_ =	swait.ge [sflag:s8], $0x4000  }
0x24: {  	[sflag:s8] =	ssyncset.done $0x0  }
0x25: {  	s17 =	simm.s32 $0x20;
	[sflag:s8] =	ssyncadd.s32 $0xFFFFC000  }
0x26: {  	v9 =	vld [tilespmem:s17+$0xFFFFFFE0];
	_ =	sdelay $0x4  }
0x27: {  	v9 =	vsub.s32 v9, v0  }
0x28: {  	vm1 =	vlt.u32 v9, $0x7A80  }
0x29: {  	v10 =	vsel vm1, $0x1, v1  }
0x2a: {  	(xrf0) =	vadd.scan.msk.s32 $0xffff, v10;
	_ =	sdelay $0x2  }
0x2b: {  	v10 =	vmov s5  }
0x2c: {  	v10 =	vadd.s32 $0xFFFFFFFF, v10  }
0x2d: {  	v10 =	vbroadcast v10, $0x0  }
0x2e: {  	v11, _, _ =	vpop (xrf0)  }
0x2f: {  	v10 =	vadd.s32 v11, v10  }
0x30: {  	(v2sf) =	vpush v11, $0xF;
	v10 =	vsel vm1, v10, v3;
	_ =	sdelay $0x1  }
0x31: {  	v9 =	vshll.u32 v9, $0xF  }
0x32: {  	v9 =	vadd.s32 s5, v9  }
0x33: {  	v9 =	vadd.s32 v2, v9  }
0x34: {  	[tilespmem:v10+s9+$0x0] =	vst.idx.msk $0xffff, v9  }
0x35: {  	v9 =	vld [tilespmem:s17+$0xFFFFFFF0];
	_ =	sdelay $0x4  }
0x36: {  	v9 =	vsub.s32 v9, v0  }
0x37: {  	vm1 =	vlt.u32 v9, $0x7A80  }
0x38: {  	v10 =	vsel vm1, $0x1, v1  }
0x39: {  	(xrf0) =	vadd.scan.msk.s32 $0xffff, v10  }
0x3a: {  	s18 =	spop (v2sf)  }
0x3b: {  	s18 =	sadd.s32 $0x0, s18  }
0x3c: {  	v10 =	vmov s18  }
0x3d: {  	v10 =	vadd.s32 $0xFFFFFFFF, v10  }
0x3e: {  	v10 =	vbroadcast v10, $0x0  }
0x3f: {  	v11, _, _ =	vpop (xrf0)  }
0x40: {  	v10 =	vadd.s32 v11, v10  }
0x41: {  	(v2sf) =	vpush v11, $0xF;
	v10 =	vsel vm1, v10, v3;
	_ =	sdelay $0x1  }
0x42: {  	s19 =	simm.s32 $0x10;
	v9 =	vshll.u32 v9, $0xF  }
0x43: {  	v9 =	vadd.s32 s19, v9  }
0x44: {  	v9 =	vadd.s32 v2, v9  }
0x45: {  	[tilespmem:v10+s9+$0x0] =	vst.idx.msk $0xffff, v9  }
0x46: {  	v9 =	vld [tilespmem:s17+$0x0];
	_ =	sdelay $0x4  }
0x47: {  	v9 =	vsub.s32 v9, v0  }
0x48: {  	vm1 =	vlt.u32 v9, $0x7A80  }
0x49: {  	v10 =	vsel vm1, $0x1, v1  }
0x4a: {  	(xrf0) =	vadd.scan.msk.s32 $0xffff, v10  }
0x4b: {  	s28 =	spop (v2sf)  }
0x4c: {  	s18 =	sadd.s32 s18, s28  }
0x4d: {  	v10 =	vmov s18  }
0x4e: {  	v10 =	vadd.s32 $0xFFFFFFFF, v10  }
0x4f: {  	v10 =	vbroadcast v10, $0x0  }
0x50: {  	v11, _, _ =	vpop (xrf0)  }
0x51: {  	v10 =	vadd.s32 v11, v10  }
0x52: {  	(v2sf) =	vpush v11, $0xF;
	v10 =	vsel vm1, v10, v3;
	_ =	sdelay $0x1  }
0x53: {  	s29 =	simm.s32 $0x20;
	v9 =	vshll.u32 v9, $0xF  }
0x54: {  	v9 =	vadd.s32 s29, v9  }
0x55: {  	v9 =	vadd.s32 v2, v9  }
0x56: {  	[tilespmem:v10+s9+$0x0] =	vst.idx.msk $0xffff, v9  }
0x57: {  	v9 =	vld [tilespmem:s17+$0x10];
	_ =	sdelay $0x4  }
0x58: {  	v9 =	vsub.s32 v9, v0  }
0x59: {  	vm1 =	vlt.u32 v9, $0x7A80  }
0x5a: {  	v10 =	vsel vm1, $0x1, v1  }
0x5b: {  	(xrf0) =	vadd.scan.msk.s32 $0xffff, v10  }
0x5c: {  	s30 =	spop (v2sf)  }
0x5d: {  	s20 =	sadd.s32 s18, s30  }
0x5e: {  	v10 =	vmov s20  }
0x5f: {  	v10 =	vadd.s32 $0xFFFFFFFF, v10  }
0x60: {  	v10 =	vbroadcast v10, $0x0  }
0x61: {  	v11, _, _ =	vpop (xrf0)  }
0x62: {  	v10 =	vadd.s32 v11, v10;
	(v2sf) =	vpush v11, $0xF  }
0x63: {  	v10 =	vsel vm1, v10, v3;
	_ =	sdelay $0x1  }
0x64: {  	s31 =	simm.s32 $0x30;
	v9 =	vshll.u32 v9, $0xF  }
0x65: {  	v9 =	vadd.s32 s31, v9  }
0x66: {  	v9 =	vadd.s32 v2, v9  }
0x67: {  	s18 =	simm.s32 $0x60;
	[tilespmem:v10+s9+$0x0] =	vst.idx.msk $0xffff, v9  }
0x68: {  	v9 =	vld [tilespmem:s18+$0xFFFFFFE0];
	_ =	sdelay $0x4  }
0x69: {  	v9 =	vsub.s32 v9, v0  }
0x6a: {  	vm1 =	vlt.u32 v9, $0x7A80  }
0x6b: {  	s17 =	simm.s32 $0x40;
	v9 =	vshll.u32 v9, $0xF;
	v10 =	vsel vm1, $0x1, v1  }
0x6c: {  	s19 =	simm.s32 $0x80;
	v9 =	vadd.s32 s17, v9;
	(xrf0) =	vadd.scan.msk.s32 $0xffff, v10;
	s21 =	spop (v2sf)  }
.LBB2_2:
0x6d: {  	p0 =	sne.s32 s19, $0x3FC0  }
0x6e: {  	s21 =	sadd.s32 s20, s21;
	s20 =	smov.u32 s19;
	s19 =	sadd.s32 $0x40, s19  }
0x6f: {  	v10 =	vmov s21  }
0x70: {  	v10 =	vadd.s32 $0xFFFFFFFF, v10;
	_ =	sdelay $0x1  }
0x71: {  	v10 =	vbroadcast v10, $0x0  }
0x72: {  	v11, _, _ =	vpop (xrf0)  }
0x73: {  	v10 =	vadd.s32 v11, v10;
	(v2sf) =	vpush v11, $0xF  }
0x74: {  	v10 =	vsel vm1, v10, v3;
	_ =	sdelay $0x3  }
0x75: {  	v9 =	vadd.s32 v2, v9  }
0x76: {  	[tilespmem:v10+s9+$0x0] =	vst.idx.msk $0xffff, v9  }
0x77: {  	v9 =	vld [tilespmem:s18+$0xFFFFFFF0];
	_ =	sdelay $0x4  }
0x78: {  	v9 =	vsub.s32 v9, v0  }
0x79: {  	s22 =	sadd.s32 $0x10, s17;
	vm1 =	vlt.u32 v9, $0x7A80;
	v9 =	vshll.u32 v9, $0xF  }
0x7a: {  	v10 =	vsel vm1, $0x1, v1;
	v9 =	vadd.s32 s22, v9  }
0x7b: {  	s22 =	spop (v2sf);
	(xrf0) =	vadd.scan.msk.s32 $0xffff, v10  }
0x7c: {  	s21 =	sadd.s32 s21, s22  }
0x7d: {  	v10 =	vmov s21  }
0x7e: {  	v10 =	vadd.s32 $0xFFFFFFFF, v10;
	_ =	sdelay $0x1  }
0x7f: {  	v10 =	vbroadcast v10, $0x0  }
0x80: {  	v11, _, _ =	vpop (xrf0)  }
0x81: {  	v10 =	vadd.s32 v11, v10;
	(v2sf) =	vpush v11, $0xF  }
0x82: {  	v10 =	vsel vm1, v10, v3;
	_ =	sdelay $0x3  }
0x83: {  	v9 =	vadd.s32 v2, v9  }
0x84: {  	[tilespmem:v10+s9+$0x0] =	vst.idx.msk $0xffff, v9  }
0x85: {  	v9 =	vld [tilespmem:s18+$0x0];
	_ =	sdelay $0x4  }
0x86: {  	v9 =	vsub.s32 v9, v0  }
0x87: {  	s22 =	sadd.s32 $0x20, s17;
	vm1 =	vlt.u32 v9, $0x7A80;
	v9 =	vshll.u32 v9, $0xF  }
0x88: {  	v10 =	vsel vm1, $0x1, v1;
	v9 =	vadd.s32 s22, v9  }
0x89: {  	s22 =	spop (v2sf);
	(xrf0) =	vadd.scan.msk.s32 $0xffff, v10  }
0x8a: {  	s21 =	sadd.s32 s21, s22  }
0x8b: {  	v10 =	vmov s21  }
0x8c: {  	v10 =	vadd.s32 $0xFFFFFFFF, v10;
	_ =	sdelay $0x1  }
0x8d: {  	v10 =	vbroadcast v10, $0x0  }
0x8e: {  	v11, _, _ =	vpop (xrf0)  }
0x8f: {  	v10 =	vadd.s32 v11, v10;
	(v2sf) =	vpush v11, $0xF  }
0x90: {  	v10 =	vsel vm1, v10, v3;
	_ =	sdelay $0x3  }
0x91: {  	v9 =	vadd.s32 v2, v9  }
0x92: {  	[tilespmem:v10+s9+$0x0] =	vst.idx.msk $0xffff, v9  }
0x93: {  	v9 =	vld [tilespmem:s18+$0x10];
	_ =	sdelay $0x4  }
0x94: {  	v9 =	vsub.s32 v9, v0  }
0x95: {  	s22 =	sadd.s32 $0x30, s17;
	s17 =	smov.u32 s20;
	vm1 =	vlt.u32 v9, $0x7A80;
	v9 =	vshll.u32 v9, $0xF  }
0x96: {  	v10 =	vsel vm1, $0x1, v1;
	v9 =	vadd.s32 s22, v9  }
0x97: {  	s20 =	spop (v2sf);
	(xrf0) =	vadd.scan.msk.s32 $0xffff, v10  }
0x98: {  	s20 =	sadd.s32 s21, s20  }
0x99: {  	v10 =	vmov s20  }
0x9a: {  	v10 =	vadd.s32 $0xFFFFFFFF, v10;
	_ =	sdelay $0x1  }
0x9b: {  	v10 =	vbroadcast v10, $0x0  }
0x9c: {  	v11, _, _ =	vpop (xrf0)  }
0x9d: {  	v10 =	vadd.s32 v11, v10;
	(v2sf) =	vpush v11, $0xF  }
0x9e: {  	v10 =	vsel vm1, v10, v3;
	_ =	sdelay $0x3  }
0x9f: {  	v9 =	vadd.s32 v2, v9  }
0xa0: {  	s18 =	sadd.s32 $0x40, s18;
	[tilespmem:v10+s9+$0x0] =	vst.idx.msk $0xffff, v9  }
0xa1: {  	v9 =	vld [tilespmem:s18+$0xFFFFFFE0];
	_ =	sdelay $0x3  }
.Ltmp2:
0xa2: {  	(pc) =	sbr.rel @p0 .LBB2_2-.Ltmp2, $4  }
0xa3: {  	v9 =	vsub.s32 v9, v0  }
0xa4: {  	vm1 =	vlt.u32 v9, $0x7A80;
	v9 =	vshll.u32 v9, $0xF  }
0xa5: {  	v10 =	vsel vm1, $0x1, v1;
	v9 =	vadd.s32 s17, v9  }
0xa6: {  	(xrf0) =	vadd.scan.msk.s32 $0xffff, v10;
	s21 =	spop (v2sf)  }
0xa7: {  	_ = 	snop  }
0xa8: {  	s19 =	sadd.s32 s20, s21  }
0xa9: {  	v10 =	vmov s19  }
0xaa: {  	v10 =	vadd.s32 $0xFFFFFFFF, v10  }
0xab: {  	v10 =	vbroadcast v10, $0x0  }
0xac: {  	v11, _, _ =	vpop (xrf0)  }
0xad: {  	v10 =	vadd.s32 v11, v10  }
0xae: {  	(v2sf) =	vpush v11, $0xF;
	v10 =	vsel vm1, v10, v3;
	_ =	sdelay $0x3  }
0xaf: {  	v9 =	vadd.s32 v2, v9  }
0xb0: {  	[tilespmem:v10+s9+$0x0] =	vst.idx.msk $0xffff, v9  }
0xb1: {  	v9 =	vld [tilespmem:s18+$0xFFFFFFF0];
	_ =	sdelay $0x4  }
0xb2: {  	v9 =	vsub.s32 v9, v0  }
0xb3: {  	vm1 =	vlt.u32 v9, $0x7A80  }
0xb4: {  	v10 =	vsel vm1, $0x1, v1  }
0xb5: {  	(xrf0) =	vadd.scan.msk.s32 $0xffff, v10  }
0xb6: {  	s21 =	spop (v2sf)  }
0xb7: {  	s19 =	sadd.s32 s19, s21  }
0xb8: {  	v10 =	vmov s19  }
0xb9: {  	v10 =	vadd.s32 $0xFFFFFFFF, v10  }
0xba: {  	v10 =	vbroadcast v10, $0x0  }
0xbb: {  	v11, _, _ =	vpop (xrf0)  }
0xbc: {  	v10 =	vadd.s32 v11, v10  }
0xbd: {  	(v2sf) =	vpush v11, $0xF;
	v10 =	vsel vm1, v10, v3;
	_ =	sdelay $0x1  }
0xbe: {  	s22 =	sadd.s32 $0x10, s17;
	v9 =	vshll.u32 v9, $0xF  }
0xbf: {  	v9 =	vadd.s32 s22, v9  }
0xc0: {  	v9 =	vadd.s32 v2, v9  }
0xc1: {  	[tilespmem:v10+s9+$0x0] =	vst.idx.msk $0xffff, v9  }
0xc2: {  	v9 =	vld [tilespmem:s18+$0x0];
	_ =	sdelay $0x4  }
0xc3: {  	v9 =	vsub.s32 v9, v0  }
0xc4: {  	vm1 =	vlt.u32 v9, $0x7A80  }
0xc5: {  	v10 =	vsel vm1, $0x1, v1  }
0xc6: {  	(xrf0) =	vadd.scan.msk.s32 $0xffff, v10  }
0xc7: {  	s23 =	spop (v2sf)  }
0xc8: {  	s19 =	sadd.s32 s19, s23  }
0xc9: {  	v10 =	vmov s19  }
0xca: {  	v10 =	vadd.s32 $0xFFFFFFFF, v10  }
0xcb: {  	v10 =	vbroadcast v10, $0x0  }
0xcc: {  	v11, _, _ =	vpop (xrf0)  }
0xcd: {  	v10 =	vadd.s32 v11, v10  }
0xce: {  	v10 =	vsel vm1, v10, v3;
	_ =	sdelay $0x1  }
0xcf: {  	s24 =	sadd.s32 $0x20, s17;
	v9 =	vshll.u32 v9, $0xF  }
0xd0: {  	v9 =	vadd.s32 s24, v9  }
0xd1: {  	v9 =	vadd.s32 v2, v9  }
0xd2: {  	[tilespmem:v10+s9+$0x0] =	vst.idx.msk $0xffff, v9  }
0xd3: {  	v9 =	vld [tilespmem:s18+$0x10];
	_ =	sdelay $0x4  }
0xd4: {  	v9 =	vsub.s32 v9, v0  }
0xd5: {  	vm1 =	vlt.u32 v9, $0x7A80  }
0xd6: {  	v10 =	vsel vm1, $0x1, v1  }
0xd7: {  	(xrf0) =	vadd.scan.msk.s32 $0xffff, v10;
	_ =	sdelay $0x1  }
0xd8: {  	(v2sf) =	vpush v11, $0xF;
	_ =	sdelay $0x3  }
0xd9: {  	v10, _, _ =	vpop (xrf0)  }
0xda: {  	(v2sf) =	vpush v10, $0xF;
	_ =	sdelay $0x9  }
0xdb: {  	s25 =	spop (v2sf)  }
0xdc: {  	s18 =	sadd.s32 s19, s25  }
0xdd: {  	v11 =	vmov s18  }
0xde: {  	v11 =	vadd.s32 $0xFFFFFFFF, v11  }
0xdf: {  	v11 =	vbroadcast v11, $0x0  }
0xe0: {  	s26 =	spop (v2sf)  }
0xe1: {  	v10 =	vadd.s32 v10, v11;
	s18 =	sadd.s32 s18, s26  }
0xe2: {  	s30 =	sadd.s32 $0x30, s17;
	v10 =	vsel vm1, v10, v3;
	s19 =	sadd.s32 $0x10, s18;
	s28 =	sand.u32 $0xF, s18  }
0xe3: {  	p0 =	sne.s32 s28, $0x0;
	s29 =	sshra.s32 s19, $0x1F;
	p1 =	slt.s32 s19, $0x1  }
.Ltmp3:
0xe4: {  	v9 =	vshll.u32 v9, $0xF;
	s20 =	sshrl.u32 s29, $0x1C;
	p0 =	por !p1, !p0;
	(pc) =	sbr.rel .LBB2_4-.Ltmp3, $4  }
0xe5: {  	v9 =	vadd.s32 s30, v9;
	s31 =	sadd.s32 s20, s19;
	p0 =	por !p0, !p0;
	s19 =	simm.s32 $0x1  }
0xe6: {  	v9 =	vadd.s32 v2, v9;
	s17 =	sshra.s32 s31, $0x4;
	s19 =	simm.s32 @!p0 $0x0  }
0xe7: {  	[tilespmem:v10+s9+$0x0] =	vst.idx.msk $0xffff, v9;
	s17 =	ssub.s32 s17, s19  }
0xe8: {  	[tilespmem:s18+$0x4000] =	vst v4;
	s18 =	simm.s32 $0x0;
	p0 =	slt.s32 s17, $0x1  }
.LBB2_13:
0xe9: {  	s18 =	sadd.s32 $0x1, s18  }
0xea: {  	p1 =	sne.s32 s18, $0x3E  }
.Ltmp4:
0xeb: {  	_ = 	snop;
	(pc) =	sbr.rel @!p1 .LBB2_14-.Ltmp4, $1  }
0xec: {  	_ =	sdelay $0x3  }
.LBB2_4:
0xed: {  	s19 =	sshll.u32 s18, $0x9  }
0xee: {  	s19 =	sadd.s32 s1, s19  }
0xef: {  	s19 =	smin.u32 s19, $0xF4080  }
.Ltmp5:
0xf0: {  	s20 =	sadd.s32 s3, s19;
	(pc) =	sbr.rel @p0 .LBB2_13-.Ltmp5, $4  }
0xf1: {  	[tilespmem:s13], [sflag:$0x2] =	stream.strided.gather [hbm4b:s20+s10], $0x8000, s12, s10, $0x38;
	[tilespmem:$0x14900] =	vst v63  }
0xf2: {  	_ =	swait.ge [sflag:s8], $0x8000  }
0xf3: {  	[sflag:s8] =	ssyncset.done $0x0  }
0xf4: {  	[sflag:s8] =	ssyncadd.s32 $0xFFFF8000  }
0xf5: {  	p2 =	sne.s32 s17, $0x1  }
.Ltmp6:
0xf6: {  	_ = 	snop;
	(pc) =	sbr.rel @!p2 .LBB2_6-.Ltmp6, $4  }
0xf7: {  	_ = 	snop  }
0xf8: {  	s31 =	sshll.u32 s18, $0x18  }
0xf9: {  	s20 =	ssub.s32 s19, s1;
	s22 =	simm.s32 $0x4000;
	s21 =	sadd.s32 $0x1000000, s31  }
0xfa: {  	s19 =	simm.s32 $0x0;
	p1 =	por $0x0, $0x0;
	v10 =	vmov s31;
	v9 =	vld [tilespmem:s22+$0x0];
	v11 =	vmov s21;
	s21 =	sadd.s32 $0xFFFFFFFF, s17  }
0xfb: {  	_ =	sdelay $0x3  }
0xfc: {  	vm1 =	vge.s32 v9, v10;
	vm2 =	vlt.s32 v9, v11  }
0xfd: {  	vm1 =	vmand vm1, vm2  }
0xfe: {  	v12 =	vsel vm1, $0x1, v1  }
0xff: {  	(xrf0) =	vadd.scan.msk.s32 $0xffff, v12;
	_ =	sdelay $0x2  }
0x100: {  	v63 =	vmov s19  }
0x101: {  	v12 =	vadd.s32 $0xFFFFFFFF, v63  }
0x102: {  	v12 =	vbroadcast v12, $0x0  }
0x103: {  	v13, _, _ =	vpop (xrf0)  }
0x104: {  	v12 =	vadd.s32 v13, v12;
	(v2sf) =	vpush v13, $0xF  }
0x105: {  	v12 =	vsel vm1, v12, v3  }
0x106: {  	p2 =	sne.s32 s21, $0x1  }
.Ltmp7:
0x107: {  	_ = 	snop;
	(pc) =	sbr.rel @!p2 .LBB2_8-.Ltmp7, $3  }
0x108: {  	_ =	sdelay $0x1  }
0x109: {  	s22 =	simm.s32 $0x4010;
	[tilespmem:v12+s14+$0x0] =	vst.idx.msk $0xffff, v9  }
0x10a: {  	s23 =	sadd.s32 $0xFFFFFFFF, s21;
	p1 =	por $0x1, $0x1;
	s21 =	simm.s32 $0x0;
	v9 =	vld [tilespmem:s22+$0x0]  }
.LBB2_9:
0x10b: {  	p2 =	sne.s32 s23, $0x1;
	_ =	sdelay $0x3  }
0x10c: {  	vm1 =	vge.s32 v9, v10;
	vm2 =	vlt.s32 v9, v11  }
0x10d: {  	vm1 =	vmand vm1, vm2  }
0x10e: {  	v12 =	vsel vm1, $0x1, v1  }
0x10f: {  	(xrf0) =	vadd.scan.msk.s32 $0xffff, v12;
	s24 =	spop (v2sf)  }
0x110: {  	s21 =	sadd.s32 s21, s24  }
0x111: {  	v12 =	vmov s21  }
0x112: {  	v12 =	vadd.s32 $0xFFFFFFFF, v12  }
0x113: {  	v12 =	vbroadcast v12, $0x0;
	_ =	sdelay $0x1  }
0x114: {  	v13, _, _ =	vpop (xrf0)  }
0x115: {  	v12 =	vadd.s32 v13, v12;
	(v2sf) =	vpush v13, $0xF  }
0x116: {  	v12 =	vsel vm1, v12, v3;
	_ =	sdelay $0x1  }
.Ltmp8:
0x117: {  	(pc) =	sbr.rel @p2 .LBB2_9-.Ltmp8, $3  }
0x118: {  	_ =	sdelay $0x1  }
0x119: {  	s22 =	sadd.s32 $0x10, s22;
	[tilespmem:v12+s14+$0x0] =	vst.idx.msk $0xffff, v9  }
0x11a: {  	s23 =	sadd.s32 $0xFFFFFFFF, s23;
	v9 =	vld [tilespmem:s22+$0x0]  }
.LBB2_10:
0x11b: {  	_ =	sdelay $0x3  }
0x11c: {  	vm1 =	vge.s32 v9, v10;
	vm2 =	vlt.s32 v9, v11  }
0x11d: {  	vm1 =	vmand vm1, vm2  }
0x11e: {  	v10 =	vsel vm1, $0x1, v1  }
0x11f: {  	(xrf0) =	vadd.scan.msk.s32 $0xffff, v10;
	_ =	sdelay $0x5  }
0x120: {  	v10, _, _ =	vpop (xrf0)  }
0x121: {  	(v2sf) =	vpush v10, $0xF;
	_ =	sdelay $0xc  }
0x122: {  	s22 =	spop @p1 (v2sf)  }
0x123: {  	s21 =	sadd.s32 @p1 s21, s22  }
0x124: {  	s19 =	smov.u32 @p1 s21;
	s31 =	spop (v2sf)  }
0x125: {  	s21 =	sadd.s32 s19, s31  }
0x126: {  	p1 =	slt.s32 s21, $0x1  }
0x127: {  	v11 =	vmov s19;
	s19 =	sadd.s32 @!p1 $0xF, s21  }
0x128: {  	s22 =	sand.u32 @!p1 $0xF, s19  }
0x129: {  	p2 =	slt.s32 @!p1 s19, $0x0;
	p3 =	sne.s32 @!p1 s22, $0x0  }
0x12a: {  	s22 =	sshra.s32 @!p1 s19, $0x1F;
	p2 =	por @!p1 !p2, !p3  }
0x12b: {  	v11 =	vadd.s32 $0xFFFFFFFF, v11;
	s22 =	sshrl.u32 @!p1 s22, $0x1C;
	p2 =	por @!p1 !p2, !p2  }
0x12c: {  	v11 =	vbroadcast v11, $0x0;
	s19 =	sadd.s32 @!p1 s22, s19;
	s22 =	simm.s32 @!p1 $0x1;
	p2 =	por !p2, p1  }
0x12d: {  	s19 =	sshra.s32 @!p1 s19, $0x4;
	s22 =	simm.s32 @p2 $0x0  }
0x12e: {  	v10 =	vadd.s32 v10, v11;
	s19 =	ssub.s32 @!p1 s19, s22  }
0x12f: {  	v10 =	vsel vm1, v10, v3;
	p2 =	slt.s32 @!p1 s19, $0x1  }
0x130: {  	p2 =	por p1, p2  }
.Ltmp9:
0x131: {  	_ = 	snop;
	(pc) =	sbr.rel @p2 .LBB2_13-.Ltmp9, $4  }
0x132: {  	s22 =	sshll.u32 @!p1 s20, $0xF  }
0x133: {  	s22 =	sor.u32 @!p1 $0x4000, s22  }
0x134: {  	[tilespmem:v10+s14+$0x0] =	vst.idx.msk $0xffff, v9;
	v9 =	vmov @!p1 s22  }
0x135: {  	[tilespmem:s21+$0x8080] =	vst @!p1 v9  }
0x136: {  	v9 =	vmov s20;
	s20 =	simm.s32 $0x8080  }
.LBB2_12:
0x137: {  	v10 =	vld [tilespmem:s20+$0x0];
	_ =	sdelay $0x4  }
0x138: {  	v11 =	vshra.s32 v10, $0xF  }
0x139: {  	v11 =	vsub.s32 v11, v9  }
0x13a: {  	v12 =	vbroadcast v11, $0x0;
	_ =	sdelay $0x1  }
0x13b: {  	v13 =	vshll.u32 v12, $0x3  }
0x13c: {  	v12 =	vand.u32 $0x7F, v12;
	v13 =	vand.u32 $0xFFFFFC00, v13  }
0x13d: {  	v12 =	vor.u32 v12, v13  }
0x13e: {  	v13 =	vadd.s32 v5, v12;
	_ =	sdelay $0x4  }
0x13f: {  	v13 =	vld.idx.msk [tilespmem:v13+s13+$0x0], $0xffff  }
0x140: {  	v14 =	vadd.s32 v6, v12;
	_ =	sdelay $0x3  }
0x141: {  	[tilespmem:$0x14100] =	vst v13  }
0x142: {  	v13 =	vld.idx.msk [tilespmem:v14+s13+$0x0], $0xffff  }
0x143: {  	v24 =	vadd.s32 v7, v12;
	_ =	sdelay $0x3  }
0x144: {  	[tilespmem:$0x14110] =	vst v13  }
0x145: {  	v13 =	vld.idx.msk [tilespmem:v24+s13+$0x0], $0xffff  }
0x146: {  	v12 =	vadd.s32 v8, v12  }
0x147: {  	v25 =	vbroadcast v11, $0x1;
	_ =	sdelay $0x1  }
0x148: {  	v15 =	vshll.u32 v25, $0x3  }
0x149: {  	v26 =	vand.u32 $0x7F, v25;
	v27 =	vand.u32 $0xFFFFFC00, v15;
	[tilespmem:$0x14120] =	vst v13  }
0x14a: {  	v13 =	vor.u32 v26, v27;
	v12 =	vld.idx.msk [tilespmem:v12+s13+$0x0], $0xffff  }
0x14b: {  	v14 =	vadd.s32 v5, v13;
	_ =	sdelay $0x3  }
0x14c: {  	[tilespmem:$0x14130] =	vst v12  }
0x14d: {  	v12 =	vld.idx.msk [tilespmem:v14+s13+$0x0], $0xffff  }
0x14e: {  	v28 =	vadd.s32 v6, v13;
	_ =	sdelay $0x3  }
0x14f: {  	[tilespmem:$0x14180] =	vst v12  }
0x150: {  	v12 =	vld.idx.msk [tilespmem:v28+s13+$0x0], $0xffff  }
0x151: {  	v29 =	vadd.s32 v7, v13;
	_ =	sdelay $0x3  }
0x152: {  	[tilespmem:$0x14190] =	vst v12  }
0x153: {  	v12 =	vld.idx.msk [tilespmem:v29+s13+$0x0], $0xffff  }
0x154: {  	v13 =	vadd.s32 v8, v13  }
0x155: {  	v30 =	vbroadcast v11, $0x2;
	_ =	sdelay $0x1  }
0x156: {  	v31 =	vshll.u32 v30, $0x3  }
0x157: {  	v32 =	vand.u32 $0x7F, v30;
	v33 =	vand.u32 $0xFFFFFC00, v31;
	[tilespmem:$0x141A0] =	vst v12  }
0x158: {  	v12 =	vor.u32 v32, v33;
	v13 =	vld.idx.msk [tilespmem:v13+s13+$0x0], $0xffff  }
0x159: {  	v14 =	vadd.s32 v5, v12;
	_ =	sdelay $0x3  }
0x15a: {  	[tilespmem:$0x141B0] =	vst v13  }
0x15b: {  	v13 =	vld.idx.msk [tilespmem:v14+s13+$0x0], $0xffff  }
0x15c: {  	v34 =	vadd.s32 v6, v12;
	_ =	sdelay $0x3  }
0x15d: {  	[tilespmem:$0x14200] =	vst v13  }
0x15e: {  	v13 =	vld.idx.msk [tilespmem:v34+s13+$0x0], $0xffff  }
0x15f: {  	v35 =	vadd.s32 v7, v12;
	_ =	sdelay $0x3  }
0x160: {  	[tilespmem:$0x14210] =	vst v13  }
0x161: {  	v13 =	vld.idx.msk [tilespmem:v35+s13+$0x0], $0xffff  }
0x162: {  	v12 =	vadd.s32 v8, v12  }
0x163: {  	v36 =	vbroadcast v11, $0x3;
	_ =	sdelay $0x1  }
0x164: {  	v37 =	vshll.u32 v36, $0x3  }
0x165: {  	v38 =	vand.u32 $0x7F, v36;
	v39 =	vand.u32 $0xFFFFFC00, v37;
	[tilespmem:$0x14220] =	vst v13  }
0x166: {  	v13 =	vor.u32 v38, v39;
	v12 =	vld.idx.msk [tilespmem:v12+s13+$0x0], $0xffff  }
0x167: {  	v14 =	vadd.s32 v5, v13;
	_ =	sdelay $0x3  }
0x168: {  	[tilespmem:$0x14230] =	vst v12  }
0x169: {  	v12 =	vld.idx.msk [tilespmem:v14+s13+$0x0], $0xffff  }
0x16a: {  	v40 =	vadd.s32 v6, v13;
	_ =	sdelay $0x3  }
0x16b: {  	[tilespmem:$0x14280] =	vst v12  }
0x16c: {  	v12 =	vld.idx.msk [tilespmem:v40+s13+$0x0], $0xffff  }
0x16d: {  	v41 =	vadd.s32 v7, v13;
	_ =	sdelay $0x3  }
0x16e: {  	[tilespmem:$0x14290] =	vst v12  }
0x16f: {  	v12 =	vld.idx.msk [tilespmem:v41+s13+$0x0], $0xffff  }
0x170: {  	v13 =	vadd.s32 v8, v13  }
0x171: {  	v42 =	vbroadcast v11, $0x4;
	_ =	sdelay $0x1  }
0x172: {  	v43 =	vshll.u32 v42, $0x3  }
0x173: {  	v44 =	vand.u32 $0x7F, v42;
	v45 =	vand.u32 $0xFFFFFC00, v43;
	[tilespmem:$0x142A0] =	vst v12  }
0x174: {  	v12 =	vor.u32 v44, v45;
	v13 =	vld.idx.msk [tilespmem:v13+s13+$0x0], $0xffff  }
0x175: {  	v14 =	vadd.s32 v5, v12;
	_ =	sdelay $0x3  }
0x176: {  	[tilespmem:$0x142B0] =	vst v13  }
0x177: {  	v13 =	vld.idx.msk [tilespmem:v14+s13+$0x0], $0xffff  }
0x178: {  	v46 =	vadd.s32 v6, v12;
	_ =	sdelay $0x3  }
0x179: {  	[tilespmem:$0x14300] =	vst v13  }
0x17a: {  	v13 =	vld.idx.msk [tilespmem:v46+s13+$0x0], $0xffff  }
0x17b: {  	v47 =	vadd.s32 v7, v12;
	_ =	sdelay $0x3  }
0x17c: {  	[tilespmem:$0x14310] =	vst v13  }
0x17d: {  	v13 =	vld.idx.msk [tilespmem:v47+s13+$0x0], $0xffff  }
0x17e: {  	v12 =	vadd.s32 v8, v12  }
0x17f: {  	v48 =	vbroadcast v11, $0x5;
	_ =	sdelay $0x1  }
0x180: {  	v49 =	vshll.u32 v48, $0x3  }
0x181: {  	v50 =	vand.u32 $0x7F, v48;
	v51 =	vand.u32 $0xFFFFFC00, v49;
	[tilespmem:$0x14320] =	vst v13  }
0x182: {  	v13 =	vor.u32 v50, v51;
	v12 =	vld.idx.msk [tilespmem:v12+s13+$0x0], $0xffff  }
0x183: {  	v14 =	vadd.s32 v5, v13;
	_ =	sdelay $0x3  }
0x184: {  	[tilespmem:$0x14330] =	vst v12  }
0x185: {  	v12 =	vld.idx.msk [tilespmem:v14+s13+$0x0], $0xffff  }
0x186: {  	v52 =	vadd.s32 v6, v13;
	_ =	sdelay $0x3  }
0x187: {  	[tilespmem:$0x14380] =	vst v12  }
0x188: {  	v12 =	vld.idx.msk [tilespmem:v52+s13+$0x0], $0xffff  }
0x189: {  	v53 =	vadd.s32 v7, v13;
	_ =	sdelay $0x3  }
0x18a: {  	[tilespmem:$0x14390] =	vst v12  }
0x18b: {  	v12 =	vld.idx.msk [tilespmem:v53+s13+$0x0], $0xffff  }
0x18c: {  	v13 =	vadd.s32 v8, v13  }
0x18d: {  	v54 =	vbroadcast v11, $0x6;
	_ =	sdelay $0x1  }
0x18e: {  	v55 =	vshll.u32 v54, $0x3  }
0x18f: {  	v56 =	vand.u32 $0x7F, v54;
	v57 =	vand.u32 $0xFFFFFC00, v55;
	[tilespmem:$0x143A0] =	vst v12  }
0x190: {  	v12 =	vor.u32 v56, v57;
	v13 =	vld.idx.msk [tilespmem:v13+s13+$0x0], $0xffff  }
0x191: {  	v14 =	vadd.s32 v5, v12;
	_ =	sdelay $0x3  }
0x192: {  	[tilespmem:$0x143B0] =	vst v13  }
0x193: {  	v13 =	vld.idx.msk [tilespmem:v14+s13+$0x0], $0xffff  }
0x194: {  	v58 =	vadd.s32 v6, v12;
	_ =	sdelay $0x3  }
0x195: {  	[tilespmem:$0x14400] =	vst v13  }
0x196: {  	v13 =	vld.idx.msk [tilespmem:v58+s13+$0x0], $0xffff  }
0x197: {  	v59 =	vadd.s32 v7, v12;
	_ =	sdelay $0x3  }
0x198: {  	[tilespmem:$0x14410] =	vst v13  }
0x199: {  	v13 =	vld.idx.msk [tilespmem:v59+s13+$0x0], $0xffff  }
0x19a: {  	v12 =	vadd.s32 v8, v12  }
0x19b: {  	v60 =	vbroadcast v11, $0x7;
	_ =	sdelay $0x1  }
0x19c: {  	v61 =	vshll.u32 v60, $0x3  }
0x19d: {  	v62 =	vand.u32 $0x7F, v60;
	v63 =	vand.u32 $0xFFFFFC00, v61;
	[tilespmem:$0x14420] =	vst v13  }
0x19e: {  	v13 =	vor.u32 v62, v63;
	v12 =	vld.idx.msk [tilespmem:v12+s13+$0x0], $0xffff  }
0x19f: {  	v14 =	vadd.s32 v5, v13;
	_ =	sdelay $0x3  }
0x1a0: {  	[tilespmem:$0x14430] =	vst v12  }
0x1a1: {  	v12 =	vld.idx.msk [tilespmem:v14+s13+$0x0], $0xffff  }
0x1a2: {  	v16 =	vadd.s32 v6, v13;
	_ =	sdelay $0x3  }
0x1a3: {  	[tilespmem:$0x14480] =	vst v12  }
0x1a4: {  	v12 =	vld.idx.msk [tilespmem:v16+s13+$0x0], $0xffff  }
0x1a5: {  	v17 =	vadd.s32 v7, v13;
	_ =	sdelay $0x3  }
0x1a6: {  	[tilespmem:$0x14490] =	vst v12  }
0x1a7: {  	v12 =	vld.idx.msk [tilespmem:v17+s13+$0x0], $0xffff  }
0x1a8: {  	v13 =	vadd.s32 v8, v13  }
0x1a9: {  	v18 =	vbroadcast v11, $0x8;
	_ =	sdelay $0x1  }
0x1aa: {  	v19 =	vshll.u32 v18, $0x3  }
0x1ab: {  	v20 =	vand.u32 $0x7F, v18;
	v21 =	vand.u32 $0xFFFFFC00, v19;
	[tilespmem:$0x144A0] =	vst v12  }
0x1ac: {  	v12 =	vor.u32 v20, v21;
	v13 =	vld.idx.msk [tilespmem:v13+s13+$0x0], $0xffff  }
0x1ad: {  	v14 =	vadd.s32 v5, v12;
	_ =	sdelay $0x3  }
0x1ae: {  	[tilespmem:$0x144B0] =	vst v13  }
0x1af: {  	v13 =	vld.idx.msk [tilespmem:v14+s13+$0x0], $0xffff  }
0x1b0: {  	v22 =	vadd.s32 v6, v12;
	_ =	sdelay $0x3  }
0x1b1: {  	[tilespmem:$0x14500] =	vst v13  }
0x1b2: {  	v13 =	vld.idx.msk [tilespmem:v22+s13+$0x0], $0xffff  }
0x1b3: {  	v23 =	vadd.s32 v7, v12;
	_ =	sdelay $0x3  }
0x1b4: {  	[tilespmem:$0x14510] =	vst v13  }
0x1b5: {  	v13 =	vld.idx.msk [tilespmem:v23+s13+$0x0], $0xffff  }
0x1b6: {  	v12 =	vadd.s32 v8, v12  }
0x1b7: {  	v24 =	vbroadcast v11, $0x9;
	_ =	sdelay $0x1  }
0x1b8: {  	v25 =	vshll.u32 v24, $0x3  }
0x1b9: {  	v26 =	vand.u32 $0x7F, v24;
	v27 =	vand.u32 $0xFFFFFC00, v25;
	[tilespmem:$0x14520] =	vst v13  }
0x1ba: {  	v13 =	vor.u32 v26, v27;
	v12 =	vld.idx.msk [tilespmem:v12+s13+$0x0], $0xffff  }
0x1bb: {  	v14 =	vadd.s32 v5, v13;
	_ =	sdelay $0x3  }
0x1bc: {  	[tilespmem:$0x14530] =	vst v12  }
0x1bd: {  	v12 =	vld.idx.msk [tilespmem:v14+s13+$0x0], $0xffff  }
0x1be: {  	v28 =	vadd.s32 v6, v13;
	_ =	sdelay $0x3  }
0x1bf: {  	[tilespmem:$0x14580] =	vst v12  }
0x1c0: {  	v12 =	vld.idx.msk [tilespmem:v28+s13+$0x0], $0xffff  }
0x1c1: {  	v29 =	vadd.s32 v7, v13;
	_ =	sdelay $0x3  }
0x1c2: {  	[tilespmem:$0x14590] =	vst v12  }
0x1c3: {  	v12 =	vld.idx.msk [tilespmem:v29+s13+$0x0], $0xffff  }
0x1c4: {  	v13 =	vadd.s32 v8, v13  }
0x1c5: {  	v30 =	vbroadcast v11, $0xA;
	_ =	sdelay $0x1  }
0x1c6: {  	v31 =	vshll.u32 v30, $0x3  }
0x1c7: {  	v32 =	vand.u32 $0x7F, v30;
	v33 =	vand.u32 $0xFFFFFC00, v31;
	[tilespmem:$0x145A0] =	vst v12  }
0x1c8: {  	v12 =	vor.u32 v32, v33;
	v13 =	vld.idx.msk [tilespmem:v13+s13+$0x0], $0xffff  }
0x1c9: {  	v14 =	vadd.s32 v5, v12;
	_ =	sdelay $0x3  }
0x1ca: {  	[tilespmem:$0x145B0] =	vst v13  }
0x1cb: {  	v13 =	vld.idx.msk [tilespmem:v14+s13+$0x0], $0xffff  }
0x1cc: {  	v34 =	vadd.s32 v6, v12;
	_ =	sdelay $0x3  }
0x1cd: {  	[tilespmem:$0x14600] =	vst v13  }
0x1ce: {  	v13 =	vld.idx.msk [tilespmem:v34+s13+$0x0], $0xffff  }
0x1cf: {  	v35 =	vadd.s32 v7, v12;
	_ =	sdelay $0x3  }
0x1d0: {  	[tilespmem:$0x14610] =	vst v13  }
0x1d1: {  	v13 =	vld.idx.msk [tilespmem:v35+s13+$0x0], $0xffff  }
0x1d2: {  	v12 =	vadd.s32 v8, v12  }
0x1d3: {  	v36 =	vbroadcast v11, $0xB;
	_ =	sdelay $0x1  }
0x1d4: {  	v37 =	vshll.u32 v36, $0x3  }
0x1d5: {  	v38 =	vand.u32 $0x7F, v36;
	v39 =	vand.u32 $0xFFFFFC00, v37;
	[tilespmem:$0x14620] =	vst v13  }
0x1d6: {  	v13 =	vor.u32 v38, v39;
	v12 =	vld.idx.msk [tilespmem:v12+s13+$0x0], $0xffff  }
0x1d7: {  	v14 =	vadd.s32 v5, v13;
	_ =	sdelay $0x3  }
0x1d8: {  	[tilespmem:$0x14630] =	vst v12  }
0x1d9: {  	v12 =	vld.idx.msk [tilespmem:v14+s13+$0x0], $0xffff  }
0x1da: {  	v40 =	vadd.s32 v6, v13;
	_ =	sdelay $0x3  }
0x1db: {  	[tilespmem:$0x14680] =	vst v12  }
0x1dc: {  	v12 =	vld.idx.msk [tilespmem:v40+s13+$0x0], $0xffff  }
0x1dd: {  	v41 =	vadd.s32 v7, v13;
	_ =	sdelay $0x3  }
0x1de: {  	[tilespmem:$0x14690] =	vst v12  }
0x1df: {  	v12 =	vld.idx.msk [tilespmem:v41+s13+$0x0], $0xffff  }
0x1e0: {  	v13 =	vadd.s32 v8, v13  }
0x1e1: {  	v42 =	vbroadcast v11, $0xC;
	_ =	sdelay $0x1  }
0x1e2: {  	v43 =	vshll.u32 v42, $0x3  }
0x1e3: {  	v44 =	vand.u32 $0x7F, v42;
	v45 =	vand.u32 $0xFFFFFC00, v43;
	[tilespmem:$0x146A0] =	vst v12  }
0x1e4: {  	v12 =	vor.u32 v44, v45;
	v13 =	vld.idx.msk [tilespmem:v13+s13+$0x0], $0xffff  }
0x1e5: {  	v14 =	vadd.s32 v5, v12;
	_ =	sdelay $0x3  }
0x1e6: {  	[tilespmem:$0x146B0] =	vst v13  }
0x1e7: {  	v13 =	vld.idx.msk [tilespmem:v14+s13+$0x0], $0xffff  }
0x1e8: {  	v46 =	vadd.s32 v6, v12;
	_ =	sdelay $0x3  }
0x1e9: {  	[tilespmem:$0x14700] =	vst v13  }
0x1ea: {  	v13 =	vld.idx.msk [tilespmem:v46+s13+$0x0], $0xffff  }
0x1eb: {  	v47 =	vadd.s32 v7, v12;
	_ =	sdelay $0x3  }
0x1ec: {  	[tilespmem:$0x14710] =	vst v13  }
0x1ed: {  	v13 =	vld.idx.msk [tilespmem:v47+s13+$0x0], $0xffff  }
0x1ee: {  	v12 =	vadd.s32 v8, v12  }
0x1ef: {  	v48 =	vbroadcast v11, $0xD;
	_ =	sdelay $0x1  }
0x1f0: {  	v49 =	vshll.u32 v48, $0x3  }
0x1f1: {  	v50 =	vand.u32 $0x7F, v48;
	v51 =	vand.u32 $0xFFFFFC00, v49;
	[tilespmem:$0x14720] =	vst v13  }
0x1f2: {  	v13 =	vor.u32 v50, v51;
	v12 =	vld.idx.msk [tilespmem:v12+s13+$0x0], $0xffff  }
0x1f3: {  	v14 =	vadd.s32 v5, v13;
	_ =	sdelay $0x3  }
0x1f4: {  	[tilespmem:$0x14730] =	vst v12  }
0x1f5: {  	v12 =	vld.idx.msk [tilespmem:v14+s13+$0x0], $0xffff  }
0x1f6: {  	v52 =	vadd.s32 v6, v13;
	_ =	sdelay $0x3  }
0x1f7: {  	[tilespmem:$0x14780] =	vst v12  }
0x1f8: {  	v12 =	vld.idx.msk [tilespmem:v52+s13+$0x0], $0xffff  }
0x1f9: {  	v53 =	vadd.s32 v7, v13;
	_ =	sdelay $0x3  }
0x1fa: {  	[tilespmem:$0x14790] =	vst v12  }
0x1fb: {  	v12 =	vld.idx.msk [tilespmem:v53+s13+$0x0], $0xffff  }
0x1fc: {  	v13 =	vadd.s32 v8, v13  }
0x1fd: {  	v54 =	vbroadcast v11, $0xE;
	_ =	sdelay $0x1  }
0x1fe: {  	v55 =	vshll.u32 v54, $0x3  }
0x1ff: {  	v56 =	vand.u32 $0x7F, v54;
	v57 =	vand.u32 $0xFFFFFC00, v55;
	[tilespmem:$0x147A0] =	vst v12  }
0x200: {  	v12 =	vor.u32 v56, v57;
	v13 =	vld.idx.msk [tilespmem:v13+s13+$0x0], $0xffff  }
0x201: {  	v14 =	vadd.s32 v5, v12;
	_ =	sdelay $0x3  }
0x202: {  	[tilespmem:$0x147B0] =	vst v13  }
0x203: {  	v13 =	vld.idx.msk [tilespmem:v14+s13+$0x0], $0xffff  }
0x204: {  	v58 =	vadd.s32 v6, v12;
	_ =	sdelay $0x3  }
0x205: {  	[tilespmem:$0x14800] =	vst v13  }
0x206: {  	v13 =	vld.idx.msk [tilespmem:v58+s13+$0x0], $0xffff  }
0x207: {  	v59 =	vadd.s32 v7, v12;
	_ =	sdelay $0x3  }
0x208: {  	[tilespmem:$0x14810] =	vst v13  }
0x209: {  	v13 =	vld.idx.msk [tilespmem:v59+s13+$0x0], $0xffff  }
0x20a: {  	v12 =	vadd.s32 v8, v12  }
0x20b: {  	v11 =	vbroadcast v11, $0xF;
	_ =	sdelay $0x1  }
0x20c: {  	v60 =	vshll.u32 v11, $0x3  }
0x20d: {  	v11 =	vand.u32 $0x7F, v11;
	v61 =	vand.u32 $0xFFFFFC00, v60;
	[tilespmem:$0x14820] =	vst v13  }
0x20e: {  	v11 =	vor.u32 v11, v61;
	v12 =	vld.idx.msk [tilespmem:v12+s13+$0x0], $0xffff  }
0x20f: {  	v13 =	vadd.s32 v5, v11;
	_ =	sdelay $0x3  }
0x210: {  	[tilespmem:$0x14830] =	vst v12  }
0x211: {  	v12 =	vld.idx.msk [tilespmem:v13+s13+$0x0], $0xffff  }
0x212: {  	v62 =	vadd.s32 v6, v11;
	_ =	sdelay $0x3  }
0x213: {  	[tilespmem:$0x14880] =	vst v12  }
0x214: {  	v12 =	vld.idx.msk [tilespmem:v62+s13+$0x0], $0xffff  }
0x215: {  	v63 =	vadd.s32 v7, v11;
	_ =	sdelay $0x3  }
0x216: {  	[tilespmem:$0x14890] =	vst v12  }
0x217: {  	v12 =	vld.idx.msk [tilespmem:v63+s13+$0x0], $0xffff  }
0x218: {  	v11 =	vadd.s32 v8, v11;
	_ =	sdelay $0x3  }
0x219: {  	[tilespmem:$0x148A0] =	vst v12  }
0x21a: {  	v11 =	vld.idx.msk [tilespmem:v11+s13+$0x0], $0xffff  }
0x21b: {  	v10 =	vand.u32 $0x7FFF, v10;
	_ =	sdelay $0x2  }
0x21c: {  	p1 =	sne.s32 s19, $0x1  }
.Ltmp10:
0x21d: {  	[tilespmem:$0x148B0] =	vst v11;
	(pc) =	sbr.rel @p1 .LBB2_12-.Ltmp10, $4  }
0x21e: {  	[hbm4b:s6+s5] =	stream.indirect_vreg.scatter [tilespmem:s15], [sflag:$0x1], $0x80, v10, vm0, $0xb8;
	[tilespmem:$0x14900] =	vst v63  }
0x21f: {  	_ =	swait.ge [sflag:s11], $0x800  }
0x220: {  	[sflag:s11] =	ssyncset.done $0x0  }
0x221: {  	s20 =	sadd.s32 $0x10, s20;
	s19 =	sadd.s32 $0xFFFFFFFF, s19;
	[sflag:s11] =	ssyncadd.s32 $0xFFFFF800  }
.Ltmp11:
0x222: {  	_ = 	snop;
	(pc) =	sbr.rel .LBB2_13-.Ltmp11, $1  }
0x223: {  	_ =	sdelay $0x3  }
.LBB2_6:
.Ltmp12:
0x224: {  	(pc) =	sbr.rel .LBB2_10-.Ltmp12, $2  }
0x225: {  	_ =	sdelay $0x2  }
0x226: {  	s21 =	simm.s32 $0x0  }
.LBB2_8:
.Ltmp13:
0x227: {  	(pc) =	sbr.rel .LBB2_10-.Ltmp13, $2  }
0x228: {  	_ =	sdelay $0x2  }
0x229: {  	s21 =	simm.s32 $0x0  }
.LBB2_15:
0x22a: {  	_ =	sfence.sel $0x180000  }
0x22b: {  	[bflag:$0x0] =	sbarrier.arrive $0xFFFF  }
0x22c: {  	p0 =	sne.s32 s0, $0x0;
	_ =	strace $0x90000047  }
0x22d: {  	s0 =	sadd.s32 @!p0 $0x100000, s4;
	[bflag:$0x2] =	sbarrier.arrive $0xFFFF  }
0x22e: {  	[sflag:s0] =	ssyncadd.tile.s32 @!p0 $0x1;
	_ =	shalt  }
.Lfunc_end2:
_tile_overlayer_lowered:
.L_overlay_start_2:
0x22f: {  	(tag) =	ssettag $0x2  }
0x230: {  	s0 =	rddreg [dreg:$0x0];
	s2 =	stileid.u32  }
0x231: {  	s1 =	rddreg [dreg:$0x1];
	p0 =	sne.s32 s2, $0x0  }
0x232: {  	s3 =	rddreg [dreg:$0x2];
	[bflag:$0x3] =	sbarrier.arrive $0xFFFF;
	s2 =	simm.s32 @!p0 $0x1C02  }
0x233: {  	[timem:s3], [sflag:s2] =	dma.local @!p0 [hbm:s0], s1  }
0x234: {  	s0 =	simm.s32 @!p0 $0x2  }
0x235: {  	_ =	swait.ge @!p0 [sflag:s0], s1  }
0x236: {  	s1 =	ssub.s32 @!p0 $0x0, s1;
	[sflag:s0] =	ssyncset.done @!p0 $0x0  }
0x237: {  	[sflag:s0] =	ssyncadd.s32 @!p0 s1  }
0x238: {  	[bflag:$0x3] =	sbarrier.arrive $0xFFFF  }
0x239: {  	_ =	shalt  }

</sc_bundles>
